<compile_context>
chip_gen: v7x
topology: tpu7x:2x2x1
jax: 0.10.2.dev20260603
libtpu: 0.0.44.dev20260713+nightly
codegen_flags: <defaults>
</compile_context>

<pallas_src>
import functools

import jax
import jax.numpy as jnp
from jax import lax
from jax.experimental import pallas as pl
from jax.experimental.pallas import tpu as pltpu
from jax.experimental.pallas import tpu_sc as plsc

NCORES = 2
NSUB = 16
NW = NCORES * NSUB
CHUNK = 64


def _sc_mesh():
  return plsc.VectorSubcoreMesh(
      core_axis_name="c", subcore_axis_name="s",
      num_cores=NCORES, num_subcores=NSUB)


def _deg_partials(colf, zeros_row, nacc, chunks):
  epw = chunks * CHUNK
  groups = epw // 16

  @functools.partial(
      pl.kernel, mesh=_sc_mesh(),
      out_type=jax.ShapeDtypeStruct((NW, nacc), jnp.float32),
      compiler_params=pltpu.CompilerParams(needs_layout_passes=False),
      scratch_types=[
          pltpu.VMEM((epw,), jnp.int32),
          pltpu.VMEM((nacc,), jnp.float32),
      ])
  def k(col_hbm, z_hbm, out_hbm, col_v, hist):
    c = lax.axis_index("c")
    s = lax.axis_index("s")
    wid = c * NSUB + s
    pltpu.sync_copy(col_hbm.at[wid], col_v)
    pltpu.sync_copy(z_hbm, hist)
    ones16 = jnp.full((16,), 1.0, jnp.float32)

    def body(i, carry):
      idx = col_v[pl.ds(i * 16, 16)]
      plsc.addupdate_scatter(hist, [idx], ones16)
      return carry

    lax.fori_loop(0, groups, body, 0)
    pltpu.sync_copy(hist, out_hbm.at[wid])

  return k(colf, zeros_row)


def _propagate(g, rowp4, colp4, zeros_slab, nacc, d, blocks, bchunks,
               bc0=None, bc1=None):
  rpt = nacc // NSUB
  nbuf = 2

  @functools.partial(
      pl.kernel, mesh=_sc_mesh(),
      out_type=jax.ShapeDtypeStruct((NCORES, nacc, d), jnp.float32),
      scratch_types=[
          pltpu.VMEM((bchunks, CHUNK), jnp.int32),
          pltpu.VMEM((bchunks, CHUNK), jnp.int32),
          pltpu.VMEM((nbuf * CHUNK, d), jnp.float32),
          pltpu.VMEM_SHARED((nacc, d), jnp.float32),
          pltpu.SemaphoreType.DMA((nbuf,)),
      ])
  def k(g_hbm, row_hbm, col_hbm, z_hbm, out_hbm, row_v, col_v, rows_v,
        acc, sems):
    c = lax.axis_index("c")
    s = lax.axis_index("s")
    wid = c * NSUB + s
    bcend = bchunks if bc0 is None else jnp.where(c == 0, bc0, bc1)
    pltpu.sync_copy(z_hbm, acc.at[pl.ds(s * rpt, rpt)])
    plsc.subcore_barrier()

    def buf(p):
      return rows_v.at[pl.ds(p * CHUNK, CHUNK)]

    def start_gather(j):
      p = lax.rem(j, nbuf)
      pltpu.async_copy(g_hbm.at[row_v.at[j]], buf(p), sems.at[p])

    for b in range(blocks):
      pltpu.sync_copy(row_hbm.at[wid, b], row_v)
      pltpu.sync_copy(col_hbm.at[wid, b], col_v)
      for jj in range(nbuf - 1):
        start_gather(jj)

      def body(j, carry):
        p = lax.rem(j, nbuf)

        @pl.when(j + nbuf - 1 < bcend)
        def _():
          start_gather(j + nbuf - 1)

        pltpu.make_async_copy(g_hbm.at[row_v.at[j]], buf(p),
                              sems.at[p]).wait()
        pltpu.sync_copy(buf(p), acc.at[col_v.at[j]], add=True)
        return carry

      lax.fori_loop(0, bcend, body, 0)

    plsc.subcore_barrier()
    pltpu.sync_copy(acc.at[pl.ds(s * rpt, rpt)],
                    out_hbm.at[c, pl.ds(s * rpt, rpt)])

  return k(g, rowp4, colp4, zeros_slab)


def _dinv_of(degp_ref, n):
  deg = jnp.sum(degp_ref[...], axis=1, keepdims=True) + 1.0
  return lax.rsqrt(deg)[:n]


def _tc_first(degp, x, w1):
  n, _ = x.shape
  h = w1.shape[1]

  def body(degp_ref, x_ref, w1_ref, g_ref):
    dinv = _dinv_of(degp_ref, n)
    hm = jnp.dot(x_ref[...], w1_ref[...], precision=lax.Precision.HIGHEST,
                 preferred_element_type=jnp.float32)
    g_ref[...] = dinv * hm

  return pl.pallas_call(
      body, out_shape=jax.ShapeDtypeStruct((n, h), jnp.float32))(degp, x, w1)


def _tc_mid(degp, s1, g1, b1r):
  n, h = g1.shape

  def body(degp_ref, s1_ref, g1_ref, b1_ref, u_ref):
    dinv = _dinv_of(degp_ref, n)
    s = s1_ref[0, :n, :] + s1_ref[1, :n, :]
    z = jnp.maximum(dinv * (s + g1_ref[...]) + b1_ref[...], 0.0)
    u_ref[...] = dinv * z

  return pl.pallas_call(
      body, out_shape=jax.ShapeDtypeStruct((n, h), jnp.float32))(
          degp, s1, g1, b1r)


def _tc_last(degp, s2, u, w2, b2r):
  n = u.shape[0]
  cdim = w2.shape[1]

  def body(degp_ref, s2_ref, u_ref, w2_ref, b2_ref, out_ref):
    dinv = _dinv_of(degp_ref, n)
    s = s2_ref[0, :n, :] + s2_ref[1, :n, :]
    p = dinv * (s + u_ref[...])
    out_ref[...] = jnp.dot(p, w2_ref[...], precision=lax.Precision.HIGHEST,
                           preferred_element_type=jnp.float32) + b2_ref[...]

  return pl.pallas_call(
      body, out_shape=jax.ShapeDtypeStruct((n, cdim), jnp.float32))(
          degp, s2, u, w2, b2r)


def kernel(x, edge_index, W1, b1, W2, b2):
  n, d = x.shape
  e = edge_index.shape[1]
  h = W1.shape[1]
  cdim = W2.shape[1]
  nacc = ((n + 1 + 8 * NSUB - 1) // (8 * NSUB)) * (8 * NSUB)
  blocks = 2
  rpt = nacc // NSUB

  bc0, bc1 = 106, 52
  e0 = NSUB * blocks * bc0 * CHUNK
  e1cap = NSUB * blocks * bc1 * CHUNK
  pad = e0 + e1cap - e

  row = edge_index[0].astype(jnp.int32)
  col = edge_index[1].astype(jnp.int32)
  rowp = jnp.concatenate([row, jnp.zeros((pad,), jnp.int32)])
  colp = jnp.concatenate([col, jnp.full((pad,), n, jnp.int32)])

  bcmax = max(bc0, bc1)

  def _core_pack(arr, fill):
    a0 = arr[:e0].reshape(NSUB, blocks, bc0, CHUNK)
    a0 = jnp.pad(a0, ((0, 0), (0, 0), (0, bcmax - bc0), (0, 0)),
                 constant_values=fill)
    a1 = arr[e0:].reshape(NSUB, blocks, bc1, CHUNK)
    a1 = jnp.pad(a1, ((0, 0), (0, 0), (0, bcmax - bc1), (0, 0)),
                 constant_values=fill)
    return jnp.concatenate([a0, a1], axis=0)

  rowp4 = _core_pack(rowp, 0)
  colp4 = _core_pack(colp, n)
  bchunks = bcmax
  chunks = blocks * bchunks
  colf = colp4.reshape(NW, chunks * CHUNK)

  z1 = jnp.zeros((nacc,), jnp.float32)
  zd = jnp.zeros((rpt, h), jnp.float32)
  b1r = b1.reshape(1, h)
  b2r = b2.reshape(1, cdim)

  degp = _deg_partials(colf, z1, nacc, chunks)
  degp = jnp.swapaxes(degp, 0, 1)
  g1 = _tc_first(degp, x, W1)
  s1 = _propagate(g1, rowp4, colp4, zd, nacc, h, blocks, bchunks, bc0, bc1)
  u = _tc_mid(degp, s1, g1, b1r)
  s2 = _propagate(u, rowp4, colp4, zd, nacc, h, blocks, bchunks, bc0, bc1)
  return _tc_last(degp, s2, u, W2, b2r)

# --- scband reference (transcript-rebuilt; emitter-appended) ---
"""Pipeline reference for scband-gnnsafe-51230369907053 (READ-ONLY COPY).

The authoritative reference and input builder live on the scoring server;
editing this copy changes nothing except your own understanding.
"""

import jax, jax.numpy as jnp
import numpy as np

N = 10000
E = 320000
D = 128
H = 128
C = 40


def setup_inputs(seed: int = 0) -> dict:
    key = jax.random.key(seed)
    k1, k2, k3, k4, k5, k6 = jax.random.split(key, 6)
    x = jax.random.normal(k1, (N, D), dtype=jnp.float32)
    edge_index = jax.random.randint(k2, (2, E), 0, N, dtype=jnp.int32)
    # GCN layer parameters (glorot-ish init)
    W1 = jax.random.normal(k3, (D, H), dtype=jnp.float32) * (1.0 / np.sqrt(D))
    b1 = jnp.zeros((H,), dtype=jnp.float32)
    W2 = jax.random.normal(k4, (H, C), dtype=jnp.float32) * (1.0 / np.sqrt(H))
    b2 = jnp.zeros((C,), dtype=jnp.float32)
    return {"x": x, "edge_index": edge_index, "W1": W1, "b1": b1, "W2": W2, "b2": b2}


def reference(x, edge_index, W1, b1, W2, b2):
    # GNNSafe.forward -> self.encoder(x, edge_index) with backbone='gcn'
    # 2-layer GCN with add_self_loops + symmetric normalization (PyG GCNConv semantics)
    n = x.shape[0]
    loop = jnp.arange(n, dtype=edge_index.dtype)
    row = jnp.concatenate([edge_index[0], loop])  # source
    col = jnp.concatenate([edge_index[1], loop])  # destination
    deg = jnp.zeros((n,), x.dtype).at[col].add(1.0)
    dinv = jnp.where(deg > 0, 1.0 / jnp.sqrt(deg), 0.0)
    norm = dinv[row] * dinv[col]

    def conv(h, W, b):
        h = h @ W
        msg = h[row] * norm[:, None]          # gather (memory-bound)
        out = jnp.zeros((n, h.shape[1]), h.dtype).at[col].add(msg)  # scatter-add
        return out + b

    h = jax.nn.relu(conv(x, W1, b1))
    logits = conv(h, W2, b2)
    return logits

if __name__ == "__main__":
    import jax
    _d = setup_inputs()
    print(jax.jit(kernel)(*tuple(_d.values())))

</pallas_src>

<mosaic_0001>
#map = affine_map<(d0, d1) -> (0, 0)>
#map1 = affine_map<(d0, d1) -> (0)>
module attributes {stable_mosaic.version = 14 : i64} {
  func.func @k(%arg0: i32, %arg1: i32, %arg2: memref<32x13568xi32, #tpu.memory_space<hbm>>, %arg3: memref<10112xf32, #tpu.memory_space<hbm>>, %arg4: memref<32x10112xf32, #tpu.memory_space<hbm>>, %arg5: memref<13568xi32, #tpu.memory_space<vmem>>, %arg6: memref<10112xf32, #tpu.memory_space<vmem>>) attributes {dimension_semantics = [#tpu.dimension_semantics<core_parallel>, #tpu.dimension_semantics<subcore_parallel>], iteration_bounds = array<i64: 2, 16>, scalar_prefetch = 0 : i64, scratch_operands = 2 : i64, tpu.core_type = #tpu.core_type<sc_vector_subcore>, window_params = [{transform_indices = #map}, {transform_indices = #map1}, {transform_indices = #map}]} {
    %mul3A = arith.constant 16 : i32
    %mul3A_0 = arith.muli %arg0, %mul3A : i32
    %add3A = arith.addi %mul3A_0, %arg1 : i32
    "tpu.region"() ({
      %run_scoped3A = tpu.sem_alloc : memref<!tpu.dma_semaphore, #tpu.memory_space<semaphore_mem>>
      %dma_start3A = arith.constant 0 : i32
      %dma_start3A_7 = tpu.memref_slice %arg2[%add3A, %dma_start3A] : memref<32x13568xi32, #tpu.memory_space<hbm>> -> memref<1x13568xi32, #tpu.memory_space<hbm>>
      %dma_start3A_8 = tpu.memref_squeeze %dma_start3A_7 : memref<1x13568xi32, #tpu.memory_space<hbm>> -> memref<13568xi32, #tpu.memory_space<hbm>>
      %dma_start3A_9 = arith.constant 0 : i32
      %dma_start3A_10 = tpu.memref_slice %arg2[%add3A, %dma_start3A_9] : memref<32x13568xi32, #tpu.memory_space<hbm>> -> memref<1x13568xi32, #tpu.memory_space<hbm>>
      %dma_start3A_11 = tpu.memref_squeeze %dma_start3A_10 : memref<1x13568xi32, #tpu.memory_space<hbm>> -> memref<13568xi32, #tpu.memory_space<hbm>>
      tpu.enqueue_dma source(%dma_start3A_11 : memref<13568xi32, #tpu.memory_space<hbm>>) target(%arg5 : memref<13568xi32, #tpu.memory_space<vmem>>) target_semaphore(%run_scoped3A : memref<!tpu.dma_semaphore, #tpu.memory_space<semaphore_mem>>)
      %dma_wait3A = arith.constant 0 : i32
      %dma_wait3A_12 = tpu.memref_slice %arg2[%add3A, %dma_wait3A] : memref<32x13568xi32, #tpu.memory_space<hbm>> -> memref<1x13568xi32, #tpu.memory_space<hbm>>
      %dma_wait3A_13 = tpu.memref_squeeze %dma_wait3A_12 : memref<1x13568xi32, #tpu.memory_space<hbm>> -> memref<13568xi32, #tpu.memory_space<hbm>>
      %dma_wait3A_14 = arith.constant 0 : i32
      %dma_wait3A_15 = tpu.memref_slice %arg2[%add3A, %dma_wait3A_14] : memref<32x13568xi32, #tpu.memory_space<hbm>> -> memref<1x13568xi32, #tpu.memory_space<hbm>>
      %dma_wait3A_16 = tpu.memref_squeeze %dma_wait3A_15 : memref<1x13568xi32, #tpu.memory_space<hbm>> -> memref<13568xi32, #tpu.memory_space<hbm>>
      tpu.wait_dma2 semaphore(%run_scoped3A : memref<!tpu.dma_semaphore, #tpu.memory_space<semaphore_mem>>) src(%dma_wait3A_16 : memref<13568xi32, #tpu.memory_space<hbm>>) dst(%arg5 : memref<13568xi32, #tpu.memory_space<vmem>>)
      tpu.yield
    }) : () -> ()
    "tpu.region"() ({
      %run_scoped3A = tpu.sem_alloc : memref<!tpu.dma_semaphore, #tpu.memory_space<semaphore_mem>>
      tpu.enqueue_dma source(%arg3 : memref<10112xf32, #tpu.memory_space<hbm>>) target(%arg6 : memref<10112xf32, #tpu.memory_space<vmem>>) target_semaphore(%run_scoped3A : memref<!tpu.dma_semaphore, #tpu.memory_space<semaphore_mem>>)
      tpu.wait_dma2 semaphore(%run_scoped3A : memref<!tpu.dma_semaphore, #tpu.memory_space<semaphore_mem>>) src(%arg3 : memref<10112xf32, #tpu.memory_space<hbm>>) dst(%arg6 : memref<10112xf32, #tpu.memory_space<vmem>>)
      tpu.yield
    }) : () -> ()
    %broadcast_in_dim3A = arith.constant 1.000000e+00 : f32
    %broadcast_in_dim3A_1 = vector.broadcast %broadcast_in_dim3A : f32 to vector<16xf32>
    %scan3A = arith.constant 0 : i32
    %scan3A_2 = arith.constant 0 : i32
    %scan3A_3 = arith.constant 848 : i32
    %scan3A_4 = arith.addi %scan3A_2, %scan3A_3 : i32
    %scan3A_5 = arith.constant 1 : i32
    scf.for %scan3A_7 = %scan3A_2 to %scan3A_4 step %scan3A_5  : i32 {
      %mul3A_8 = arith.constant 16 : i32
      %mul3A_9 = arith.muli %scan3A_7, %mul3A_8 : i32
      %get3A = arith.index_cast %mul3A_9 : i32 to index
      %get3A_10 = tpu.vector_load %arg5[%get3A] {strides = array<i32>} : memref<13568xi32, #tpu.memory_space<vmem>>, vector<16xi32>,
      tpu.vector_store_idx %arg6[%get3A_10], %broadcast_in_dim3A_1 {add = true} : memref<10112xf32, #tpu.memory_space<vmem>>[vector<16xi32>], vector<16xf32>,
    }
    %scan3A_6 = arith.constant 848 : i32
    "tpu.region"() ({
      %run_scoped3A = tpu.sem_alloc : memref<!tpu.dma_semaphore, #tpu.memory_space<semaphore_mem>>
      %dma_start3A = arith.constant 0 : i32
      %dma_start3A_7 = tpu.memref_slice %arg4[%add3A, %dma_start3A] : memref<32x10112xf32, #tpu.memory_space<hbm>> -> memref<1x10112xf32, #tpu.memory_space<hbm>>
      %dma_start3A_8 = tpu.memref_squeeze %dma_start3A_7 : memref<1x10112xf32, #tpu.memory_space<hbm>> -> memref<10112xf32, #tpu.memory_space<hbm>>
      %dma_start3A_9 = arith.constant 0 : i32
      %dma_start3A_10 = tpu.memref_slice %arg4[%add3A, %dma_start3A_9] : memref<32x10112xf32, #tpu.memory_space<hbm>> -> memref<1x10112xf32, #tpu.memory_space<hbm>>
      %dma_start3A_11 = tpu.memref_squeeze %dma_start3A_10 : memref<1x10112xf32, #tpu.memory_space<hbm>> -> memref<10112xf32, #tpu.memory_space<hbm>>
      tpu.enqueue_dma source(%arg6 : memref<10112xf32, #tpu.memory_space<vmem>>) target(%dma_start3A_11 : memref<10112xf32, #tpu.memory_space<hbm>>) target_semaphore(%run_scoped3A : memref<!tpu.dma_semaphore, #tpu.memory_space<semaphore_mem>>)
      %dma_wait3A = arith.constant 0 : i32
      %dma_wait3A_12 = tpu.memref_slice %arg4[%add3A, %dma_wait3A] : memref<32x10112xf32, #tpu.memory_space<hbm>> -> memref<1x10112xf32, #tpu.memory_space<hbm>>
      %dma_wait3A_13 = tpu.memref_squeeze %dma_wait3A_12 : memref<1x10112xf32, #tpu.memory_space<hbm>> -> memref<10112xf32, #tpu.memory_space<hbm>>
      %dma_wait3A_14 = arith.constant 0 : i32
      %dma_wait3A_15 = tpu.memref_slice %arg4[%add3A, %dma_wait3A_14] : memref<32x10112xf32, #tpu.memory_space<hbm>> -> memref<1x10112xf32, #tpu.memory_space<hbm>>
      %dma_wait3A_16 = tpu.memref_squeeze %dma_wait3A_15 : memref<1x10112xf32, #tpu.memory_space<hbm>> -> memref<10112xf32, #tpu.memory_space<hbm>>
      tpu.wait_dma2 semaphore(%run_scoped3A : memref<!tpu.dma_semaphore, #tpu.memory_space<semaphore_mem>>) src(%arg6 : memref<10112xf32, #tpu.memory_space<vmem>>) dst(%dma_wait3A_16 : memref<10112xf32, #tpu.memory_space<hbm>>)
      tpu.yield
    }) : () -> ()
    return
  }
}

#map = affine_map<(d0, d1) -> (0, 0)>
#map1 = affine_map<(d0, d1) -> (0, 0, 0, 0)>
#map2 = affine_map<(d0, d1) -> (0, 0, 0)>
module attributes {stable_mosaic.version = 14 : i64} {
  func.func @k(%arg0: i32, %arg1: i32, %arg2: memref<10000x128xf32, #tpu.memory_space<hbm>>, %arg3: memref<32x2x106x64xi32, #tpu.memory_space<hbm>>, %arg4: memref<32x2x106x64xi32, #tpu.memory_space<hbm>>, %arg5: memref<632x128xf32, #tpu.memory_space<hbm>>, %arg6: memref<2x10112x128xf32, #tpu.memory_space<hbm>>, %arg7: memref<106x64xi32, #tpu.memory_space<vmem>>, %arg8: memref<106x64xi32, #tpu.memory_space<vmem>>, %arg9: memref<128x128xf32, #tpu.memory_space<vmem>>, %arg10: memref<10112x128xf32, #tpu.memory_space<vmem_shared>>, %arg11: memref<2x!tpu.dma_semaphore, #tpu.memory_space<semaphore_mem>>) attributes {dimension_semantics = [#tpu.dimension_semantics<core_parallel>, #tpu.dimension_semantics<subcore_parallel>], iteration_bounds = array<i64: 2, 16>, scalar_prefetch = 0 : i64, scratch_operands = 5 : i64, tpu.core_type = #tpu.core_type<sc_vector_subcore>, window_params = [{transform_indices = #map}, {transform_indices = #map1}, {transform_indices = #map1}, {transform_indices = #map}, {transform_indices = #map2}]} {
    %mul3A = arith.constant 16 : i32
    %mul3A_0 = arith.muli %arg0, %mul3A : i32
    %add3A = arith.addi %mul3A_0, %arg1 : i32
    %eq3A = arith.constant 0 : i32
    %eq3A_1 = arith.cmpi eq, %arg0, %eq3A : i32
    %jit3A = arith.constant 106 : i32
    %jit3A_2 = arith.constant 52 : i32
    %select_n3A = arith.select %eq3A_1, %jit3A, %jit3A_2 : i32
    %mul3A_3 = arith.constant 632 : i32
    %mul3A_4 = arith.muli %arg1, %mul3A_3 : i32
    "tpu.region"() ({
      %run_scoped3A_62 = tpu.sem_alloc : memref<!tpu.dma_semaphore, #tpu.memory_space<semaphore_mem>>
      %dma_start3A_63 = arith.constant 0 : i32
      %dma_start3A_64 = tpu.memref_slice %arg10[%mul3A_4, %dma_start3A_63] : memref<10112x128xf32, #tpu.memory_space<vmem_shared>> -> memref<632x128xf32, #tpu.memory_space<vmem_shared>>
      tpu.enqueue_dma source(%arg5 : memref<632x128xf32, #tpu.memory_space<hbm>>) target(%dma_start3A_64 : memref<632x128xf32, #tpu.memory_space<vmem_shared>>) target_semaphore(%run_scoped3A_62 : memref<!tpu.dma_semaphore, #tpu.memory_space<semaphore_mem>>)
      %dma_wait3A = arith.constant 0 : i32
      %dma_wait3A_65 = tpu.memref_slice %arg10[%mul3A_4, %dma_wait3A] : memref<10112x128xf32, #tpu.memory_space<vmem_shared>> -> memref<632x128xf32, #tpu.memory_space<vmem_shared>>
      tpu.wait_dma2 semaphore(%run_scoped3A_62 : memref<!tpu.dma_semaphore, #tpu.memory_space<semaphore_mem>>) src(%arg5 : memref<632x128xf32, #tpu.memory_space<hbm>>) dst(%dma_wait3A_65 : memref<632x128xf32, #tpu.memory_space<vmem_shared>>)
      tpu.yield
    }) : () -> ()
    %barrier3A = arith.constant 0 : index
    tpu.barrier barrier_id(%barrier3A)
    %run_scoped3A = arith.constant 0 : i32
    "tpu.region"() ({
      %run_scoped3A_62 = tpu.sem_alloc : memref<!tpu.dma_semaphore, #tpu.memory_space<semaphore_mem>>
      %dma_start3A_63 = arith.constant 0 : i32
      %dma_start3A_64 = arith.constant 0 : i32
      %dma_start3A_65 = tpu.memref_slice %arg3[%add3A, %run_scoped3A, %dma_start3A_63, %dma_start3A_64] : memref<32x2x106x64xi32, #tpu.memory_space<hbm>> -> memref<1x1x106x64xi32, #tpu.memory_space<hbm>>
      %dma_start3A_66 = tpu.memref_squeeze %dma_start3A_65 : memref<1x1x106x64xi32, #tpu.memory_space<hbm>> -> memref<106x64xi32, #tpu.memory_space<hbm>>
      %dma_start3A_67 = arith.constant 0 : i32
      %dma_start3A_68 = arith.constant 0 : i32
      %dma_start3A_69 = tpu.memref_slice %arg3[%add3A, %run_scoped3A, %dma_start3A_67, %dma_start3A_68] : memref<32x2x106x64xi32, #tpu.memory_space<hbm>> -> memref<1x1x106x64xi32, #tpu.memory_space<hbm>>
      %dma_start3A_70 = tpu.memref_squeeze %dma_start3A_69 : memref<1x1x106x64xi32, #tpu.memory_space<hbm>> -> memref<106x64xi32, #tpu.memory_space<hbm>>
      tpu.enqueue_dma source(%dma_start3A_70 : memref<106x64xi32, #tpu.memory_space<hbm>>) target(%arg7 : memref<106x64xi32, #tpu.memory_space<vmem>>) target_semaphore(%run_scoped3A_62 : memref<!tpu.dma_semaphore, #tpu.memory_space<semaphore_mem>>)
      %dma_wait3A = arith.constant 0 : i32
      %dma_wait3A_71 = arith.constant 0 : i32
      %dma_wait3A_72 = tpu.memref_slice %arg3[%add3A, %run_scoped3A, %dma_wait3A, %dma_wait3A_71] : memref<32x2x106x64xi32, #tpu.memory_space<hbm>> -> memref<1x1x106x64xi32, #tpu.memory_space<hbm>>
      %dma_wait3A_73 = tpu.memref_squeeze %dma_wait3A_72 : memref<1x1x106x64xi32, #tpu.memory_space<hbm>> -> memref<106x64xi32, #tpu.memory_space<hbm>>
      %dma_wait3A_74 = arith.constant 0 : i32
      %dma_wait3A_75 = arith.constant 0 : i32
      %dma_wait3A_76 = tpu.memref_slice %arg3[%add3A, %run_scoped3A, %dma_wait3A_74, %dma_wait3A_75] : memref<32x2x106x64xi32, #tpu.memory_space<hbm>> -> memref<1x1x106x64xi32, #tpu.memory_space<hbm>>
      %dma_wait3A_77 = tpu.memref_squeeze %dma_wait3A_76 : memref<1x1x106x64xi32, #tpu.memory_space<hbm>> -> memref<106x64xi32, #tpu.memory_space<hbm>>
      tpu.wait_dma2 semaphore(%run_scoped3A_62 : memref<!tpu.dma_semaphore, #tpu.memory_space<semaphore_mem>>) src(%dma_wait3A_77 : memref<106x64xi32, #tpu.memory_space<hbm>>) dst(%arg7 : memref<106x64xi32, #tpu.memory_space<vmem>>)
      tpu.yield
    }) : () -> ()
    %run_scoped3A_5 = arith.constant 0 : i32
    "tpu.region"() ({
      %run_scoped3A_62 = tpu.sem_alloc : memref<!tpu.dma_semaphore, #tpu.memory_space<semaphore_mem>>
      %dma_start3A_63 = arith.constant 0 : i32
      %dma_start3A_64 = arith.constant 0 : i32
      %dma_start3A_65 = tpu.memref_slice %arg4[%add3A, %run_scoped3A_5, %dma_start3A_63, %dma_start3A_64] : memref<32x2x106x64xi32, #tpu.memory_space<hbm>> -> memref<1x1x106x64xi32, #tpu.memory_space<hbm>>
      %dma_start3A_66 = tpu.memref_squeeze %dma_start3A_65 : memref<1x1x106x64xi32, #tpu.memory_space<hbm>> -> memref<106x64xi32, #tpu.memory_space<hbm>>
      %dma_start3A_67 = arith.constant 0 : i32
      %dma_start3A_68 = arith.constant 0 : i32
      %dma_start3A_69 = tpu.memref_slice %arg4[%add3A, %run_scoped3A_5, %dma_start3A_67, %dma_start3A_68] : memref<32x2x106x64xi32, #tpu.memory_space<hbm>> -> memref<1x1x106x64xi32, #tpu.memory_space<hbm>>
      %dma_start3A_70 = tpu.memref_squeeze %dma_start3A_69 : memref<1x1x106x64xi32, #tpu.memory_space<hbm>> -> memref<106x64xi32, #tpu.memory_space<hbm>>
      tpu.enqueue_dma source(%dma_start3A_70 : memref<106x64xi32, #tpu.memory_space<hbm>>) target(%arg8 : memref<106x64xi32, #tpu.memory_space<vmem>>) target_semaphore(%run_scoped3A_62 : memref<!tpu.dma_semaphore, #tpu.memory_space<semaphore_mem>>)
      %dma_wait3A = arith.constant 0 : i32
      %dma_wait3A_71 = arith.constant 0 : i32
      %dma_wait3A_72 = tpu.memref_slice %arg4[%add3A, %run_scoped3A_5, %dma_wait3A, %dma_wait3A_71] : memref<32x2x106x64xi32, #tpu.memory_space<hbm>> -> memref<1x1x106x64xi32, #tpu.memory_space<hbm>>
      %dma_wait3A_73 = tpu.memref_squeeze %dma_wait3A_72 : memref<1x1x106x64xi32, #tpu.memory_space<hbm>> -> memref<106x64xi32, #tpu.memory_space<hbm>>
      %dma_wait3A_74 = arith.constant 0 : i32
      %dma_wait3A_75 = arith.constant 0 : i32
      %dma_wait3A_76 = tpu.memref_slice %arg4[%add3A, %run_scoped3A_5, %dma_wait3A_74, %dma_wait3A_75] : memref<32x2x106x64xi32, #tpu.memory_space<hbm>> -> memref<1x1x106x64xi32, #tpu.memory_space<hbm>>
      %dma_wait3A_77 = tpu.memref_squeeze %dma_wait3A_76 : memref<1x1x106x64xi32, #tpu.memory_space<hbm>> -> memref<106x64xi32, #tpu.memory_space<hbm>>
      tpu.wait_dma2 semaphore(%run_scoped3A_62 : memref<!tpu.dma_semaphore, #tpu.memory_space<semaphore_mem>>) src(%dma_wait3A_77 : memref<106x64xi32, #tpu.memory_space<hbm>>) dst(%arg8 : memref<106x64xi32, #tpu.memory_space<vmem>>)
      tpu.yield
    }) : () -> ()
    %rem3A = arith.constant 0 : i32
    %rem3A_6 = arith.constant 2 : i32
    %rem3A_7 = arith.remsi %rem3A, %rem3A_6 : i32
    %mul3A_8 = arith.constant 64 : i32
    %mul3A_9 = arith.muli %rem3A_7, %mul3A_8 : i32
    %dma_start3A = arith.constant 0 : i32
    %dma_start3A_10 = arith.constant 0 : i32
    %dma_start3A_11 = tpu.memref_slice %arg9[%mul3A_9, %dma_start3A_10] : memref<128x128xf32, #tpu.memory_space<vmem>> -> memref<64x128xf32, #tpu.memory_space<vmem>>
    %dma_start3A_12 = arith.constant 0 : i32
    %dma_start3A_13 = tpu.memref_slice %arg7[%dma_start3A, %dma_start3A_12] : memref<106x64xi32, #tpu.memory_space<vmem>> -> memref<1x64xi32, #tpu.memory_space<vmem>>
    %dma_start3A_14 = tpu.memref_squeeze %dma_start3A_13 : memref<1x64xi32, #tpu.memory_space<vmem>> -> memref<64xi32, #tpu.memory_space<vmem>>
    %dma_start3A_15 = arith.constant 0 : i32
    %dma_start3A_16 = arith.constant 0 : i32
    %dma_start3A_17 = tpu.memref_slice %arg2[%dma_start3A_15, %dma_start3A_16] : memref<10000x128xf32, #tpu.memory_space<hbm>> -> memref<10000x128xf32, #tpu.memory_space<hbm>>
    %dma_start3A_18 = tpu.memref_slice %arg11[%rem3A_7] : memref<2x!tpu.dma_semaphore, #tpu.memory_space<semaphore_mem>> -> memref<1x!tpu.dma_semaphore, #tpu.memory_space<semaphore_mem>>
    %dma_start3A_19 = tpu.memref_squeeze %dma_start3A_18 : memref<1x!tpu.dma_semaphore, #tpu.memory_space<semaphore_mem>> -> memref<!tpu.dma_semaphore, #tpu.memory_space<semaphore_mem>>
    tpu.enqueue_indirect_dma source(%dma_start3A_17 : memref<10000x128xf32, #tpu.memory_space<hbm>>) target(%dma_start3A_11 : memref<64x128xf32, #tpu.memory_space<vmem>>) offsets(%dma_start3A_14 : memref<64xi32, #tpu.memory_space<vmem>>) semaphore(%dma_start3A_19 : memref<!tpu.dma_semaphore, #tpu.memory_space<semaphore_mem>>)
    %while3A = arith.constant 0 : i32
    %while3A_20 = arith.constant 0 : i32
    %while3A_21 = arith.subi %select_n3A, %while3A_20 : i32
    %while3A_22 = arith.addi %while3A_20, %while3A_21 : i32
    %while3A_23 = arith.constant 1 : i32
    %while3A_24 = arith.divsi %while3A_21, %while3A_23 : i32
    %while3A_25 = arith.muli %while3A_24, %while3A_23 : i32
    %while3A_26 = arith.addi %while3A_20, %while3A_25 : i32
    %while3A_27 = arith.constant 1 : i32
    scf.for %while3A_62 = %while3A_20 to %while3A_26 step %while3A_27  : i32 {
      %rem3A_63 = arith.constant 2 : i32
      %rem3A_64 = arith.remsi %while3A_62, %rem3A_63 : i32
      %add3A_65 = arith.constant 2 : i32
      %add3A_66 = arith.addi %while3A_62, %add3A_65 : i32
      %sub3A = arith.constant 1 : i32
      %sub3A_67 = arith.subi %add3A_66, %sub3A : i32
      %lt3A = arith.cmpi slt, %sub3A_67, %select_n3A : i32
      %convert_element_type3A = arith.extui %lt3A : i1 to i32
      %cond3A = arith.constant 0 : i32
      %cond3A_68 = arith.cmpi ne, %convert_element_type3A, %cond3A : i32
      scf.if %cond3A_68 {
        %add3A_82 = arith.constant 2 : i32
        %add3A_83 = arith.addi %while3A_62, %add3A_82 : i32
        %sub3A_84 = arith.constant 1 : i32
        %sub3A_85 = arith.subi %add3A_83, %sub3A_84 : i32
        %rem3A_86 = arith.constant 2 : i32
        %rem3A_87 = arith.remsi %sub3A_85, %rem3A_86 : i32
        %mul3A_88 = arith.constant 64 : i32
        %mul3A_89 = arith.muli %rem3A_87, %mul3A_88 : i32
        %dma_start3A_90 = arith.constant 0 : i32
        %dma_start3A_91 = tpu.memref_slice %arg9[%mul3A_89, %dma_start3A_90] : memref<128x128xf32, #tpu.memory_space<vmem>> -> memref<64x128xf32, #tpu.memory_space<vmem>>
        %dma_start3A_92 = arith.constant 0 : i32
        %dma_start3A_93 = tpu.memref_slice %arg7[%sub3A_85, %dma_start3A_92] : memref<106x64xi32, #tpu.memory_space<vmem>> -> memref<1x64xi32, #tpu.memory_space<vmem>>
        %dma_start3A_94 = tpu.memref_squeeze %dma_start3A_93 : memref<1x64xi32, #tpu.memory_space<vmem>> -> memref<64xi32, #tpu.memory_space<vmem>>
        %dma_start3A_95 = arith.constant 0 : i32
        %dma_start3A_96 = arith.constant 0 : i32
        %dma_start3A_97 = tpu.memref_slice %arg2[%dma_start3A_95, %dma_start3A_96] : memref<10000x128xf32, #tpu.memory_space<hbm>> -> memref<10000x128xf32, #tpu.memory_space<hbm>>
        %dma_start3A_98 = tpu.memref_slice %arg11[%rem3A_87] : memref<2x!tpu.dma_semaphore, #tpu.memory_space<semaphore_mem>> -> memref<1x!tpu.dma_semaphore, #tpu.memory_space<semaphore_mem>>
        %dma_start3A_99 = tpu.memref_squeeze %dma_start3A_98 : memref<1x!tpu.dma_semaphore, #tpu.memory_space<semaphore_mem>> -> memref<!tpu.dma_semaphore, #tpu.memory_space<semaphore_mem>>
        tpu.enqueue_indirect_dma source(%dma_start3A_97 : memref<10000x128xf32, #tpu.memory_space<hbm>>) target(%dma_start3A_91 : memref<64x128xf32, #tpu.memory_space<vmem>>) offsets(%dma_start3A_94 : memref<64xi32, #tpu.memory_space<vmem>>) semaphore(%dma_start3A_99 : memref<!tpu.dma_semaphore, #tpu.memory_space<semaphore_mem>>)
      } else {
      }
      %mul3A_69 = arith.constant 64 : i32
      %mul3A_70 = arith.muli %rem3A_64, %mul3A_69 : i32
      %dma_wait3A = arith.constant 0 : i32
      %dma_wait3A_71 = tpu.memref_slice %arg9[%mul3A_70, %dma_wait3A] : memref<128x128xf32, #tpu.memory_space<vmem>> -> memref<64x128xf32, #tpu.memory_space<vmem>>
      %dma_wait3A_72 = arith.constant 0 : i32
      %dma_wait3A_73 = tpu.memref_slice %arg7[%while3A_62, %dma_wait3A_72] : memref<106x64xi32, #tpu.memory_space<vmem>> -> memref<1x64xi32, #tpu.memory_space<vmem>>
      %dma_wait3A_74 = tpu.memref_squeeze %dma_wait3A_73 : memref<1x64xi32, #tpu.memory_space<vmem>> -> memref<64xi32, #tpu.memory_space<vmem>>
      %dma_wait3A_75 = arith.constant 0 : i32
      %dma_wait3A_76 = arith.constant 0 : i32
      %dma_wait3A_77 = tpu.memref_slice %arg2[%dma_wait3A_75, %dma_wait3A_76] : memref<10000x128xf32, #tpu.memory_space<hbm>> -> memref<10000x128xf32, #tpu.memory_space<hbm>>
      %dma_wait3A_78 = tpu.memref_slice %arg11[%rem3A_64] : memref<2x!tpu.dma_semaphore, #tpu.memory_space<semaphore_mem>> -> memref<1x!tpu.dma_semaphore, #tpu.memory_space<semaphore_mem>>
      %dma_wait3A_79 = tpu.memref_squeeze %dma_wait3A_78 : memref<1x!tpu.dma_semaphore, #tpu.memory_space<semaphore_mem>> -> memref<!tpu.dma_semaphore, #tpu.memory_space<semaphore_mem>>
      tpu.wait_indirect_dma semaphore(%dma_wait3A_79 : memref<!tpu.dma_semaphore, #tpu.memory_space<semaphore_mem>>) src(%dma_wait3A_77 : memref<10000x128xf32, #tpu.memory_space<hbm>>) dst(%dma_wait3A_71 : memref<64x128xf32, #tpu.memory_space<vmem>>)
      %mul3A_80 = arith.constant 64 : i32
      %mul3A_81 = arith.muli %rem3A_64, %mul3A_80 : i32
      "tpu.region"() ({
        %run_scoped3A_82 = tpu.sem_alloc : memref<!tpu.dma_semaphore, #tpu.memory_space<semaphore_mem>>
        %dma_start3A_83 = arith.constant 0 : i32
        %dma_start3A_84 = tpu.memref_slice %arg9[%mul3A_81, %dma_start3A_83] : memref<128x128xf32, #tpu.memory_space<vmem>> -> memref<64x128xf32, #tpu.memory_space<vmem>>
        %dma_start3A_85 = arith.constant 0 : i32
        %dma_start3A_86 = tpu.memref_slice %arg8[%while3A_62, %dma_start3A_85] : memref<106x64xi32, #tpu.memory_space<vmem>> -> memref<1x64xi32, #tpu.memory_space<vmem>>
        %dma_start3A_87 = tpu.memref_squeeze %dma_start3A_86 : memref<1x64xi32, #tpu.memory_space<vmem>> -> memref<64xi32, #tpu.memory_space<vmem>>
        %dma_start3A_88 = arith.constant 0 : i32
        %dma_start3A_89 = arith.constant 0 : i32
        %dma_start3A_90 = tpu.memref_slice %arg10[%dma_start3A_88, %dma_start3A_89] : memref<10112x128xf32, #tpu.memory_space<vmem_shared>> -> memref<10112x128xf32, #tpu.memory_space<vmem_shared>>
        tpu.enqueue_indirect_dma source(%dma_start3A_84 : memref<64x128xf32, #tpu.memory_space<vmem>>) target(%dma_start3A_90 : memref<10112x128xf32, #tpu.memory_space<vmem_shared>>) offsets(%dma_start3A_87 : memref<64xi32, #tpu.memory_space<vmem>>) semaphore(%run_scoped3A_82 : memref<!tpu.dma_semaphore, #tpu.memory_space<semaphore_mem>>) {add = true}
        %dma_wait3A_91 = arith.constant 0 : i32
        %dma_wait3A_92 = tpu.memref_slice %arg9[%mul3A_81, %dma_wait3A_91] : memref<128x128xf32, #tpu.memory_space<vmem>> -> memref<64x128xf32, #tpu.memory_space<vmem>>
        %dma_wait3A_93 = arith.constant 0 : i32
        %dma_wait3A_94 = tpu.memref_slice %arg8[%while3A_62, %dma_wait3A_93] : memref<106x64xi32, #tpu.memory_space<vmem>> -> memref<1x64xi32, #tpu.memory_space<vmem>>
        %dma_wait3A_95 = tpu.memref_squeeze %dma_wait3A_94 : memref<1x64xi32, #tpu.memory_space<vmem>> -> memref<64xi32, #tpu.memory_space<vmem>>
        %dma_wait3A_96 = arith.constant 0 : i32
        %dma_wait3A_97 = arith.constant 0 : i32
        %dma_wait3A_98 = tpu.memref_slice %arg10[%dma_wait3A_96, %dma_wait3A_97] : memref<10112x128xf32, #tpu.memory_space<vmem_shared>> -> memref<10112x128xf32, #tpu.memory_space<vmem_shared>>
        tpu.wait_indirect_dma semaphore(%run_scoped3A_82 : memref<!tpu.dma_semaphore, #tpu.memory_space<semaphore_mem>>) src(%dma_wait3A_92 : memref<64x128xf32, #tpu.memory_space<vmem>>) dst(%dma_wait3A_98 : memref<10112x128xf32, #tpu.memory_space<vmem_shared>>)
        tpu.yield
      }) : () -> ()
    }
    %while3A_28 = arith.constant 1 : i32
    scf.for %while3A_62 = %while3A_26 to %while3A_22 step %while3A_28  : i32 {
      %rem3A_63 = arith.constant 2 : i32
      %rem3A_64 = arith.remsi %while3A_62, %rem3A_63 : i32
      %add3A_65 = arith.constant 2 : i32
      %add3A_66 = arith.addi %while3A_62, %add3A_65 : i32
      %sub3A = arith.constant 1 : i32
      %sub3A_67 = arith.subi %add3A_66, %sub3A : i32
      %lt3A = arith.cmpi slt, %sub3A_67, %select_n3A : i32
      %convert_element_type3A = arith.extui %lt3A : i1 to i32
      %cond3A = arith.constant 0 : i32
      %cond3A_68 = arith.cmpi ne, %convert_element_type3A, %cond3A : i32
      scf.if %cond3A_68 {
        %add3A_82 = arith.constant 2 : i32
        %add3A_83 = arith.addi %while3A_62, %add3A_82 : i32
        %sub3A_84 = arith.constant 1 : i32
        %sub3A_85 = arith.subi %add3A_83, %sub3A_84 : i32
        %rem3A_86 = arith.constant 2 : i32
        %rem3A_87 = arith.remsi %sub3A_85, %rem3A_86 : i32
        %mul3A_88 = arith.constant 64 : i32
        %mul3A_89 = arith.muli %rem3A_87, %mul3A_88 : i32
        %dma_start3A_90 = arith.constant 0 : i32
        %dma_start3A_91 = tpu.memref_slice %arg9[%mul3A_89, %dma_start3A_90] : memref<128x128xf32, #tpu.memory_space<vmem>> -> memref<64x128xf32, #tpu.memory_space<vmem>>
        %dma_start3A_92 = arith.constant 0 : i32
        %dma_start3A_93 = tpu.memref_slice %arg7[%sub3A_85, %dma_start3A_92] : memref<106x64xi32, #tpu.memory_space<vmem>> -> memref<1x64xi32, #tpu.memory_space<vmem>>
        %dma_start3A_94 = tpu.memref_squeeze %dma_start3A_93 : memref<1x64xi32, #tpu.memory_space<vmem>> -> memref<64xi32, #tpu.memory_space<vmem>>
        %dma_start3A_95 = arith.constant 0 : i32
        %dma_start3A_96 = arith.constant 0 : i32
        %dma_start3A_97 = tpu.memref_slice %arg2[%dma_start3A_95, %dma_start3A_96] : memref<10000x128xf32, #tpu.memory_space<hbm>> -> memref<10000x128xf32, #tpu.memory_space<hbm>>
        %dma_start3A_98 = tpu.memref_slice %arg11[%rem3A_87] : memref<2x!tpu.dma_semaphore, #tpu.memory_space<semaphore_mem>> -> memref<1x!tpu.dma_semaphore, #tpu.memory_space<semaphore_mem>>
        %dma_start3A_99 = tpu.memref_squeeze %dma_start3A_98 : memref<1x!tpu.dma_semaphore, #tpu.memory_space<semaphore_mem>> -> memref<!tpu.dma_semaphore, #tpu.memory_space<semaphore_mem>>
        tpu.enqueue_indirect_dma source(%dma_start3A_97 : memref<10000x128xf32, #tpu.memory_space<hbm>>) target(%dma_start3A_91 : memref<64x128xf32, #tpu.memory_space<vmem>>) offsets(%dma_start3A_94 : memref<64xi32, #tpu.memory_space<vmem>>) semaphore(%dma_start3A_99 : memref<!tpu.dma_semaphore, #tpu.memory_space<semaphore_mem>>)
      } else {
      }
      %mul3A_69 = arith.constant 64 : i32
      %mul3A_70 = arith.muli %rem3A_64, %mul3A_69 : i32
      %dma_wait3A = arith.constant 0 : i32
      %dma_wait3A_71 = tpu.memref_slice %arg9[%mul3A_70, %dma_wait3A] : memref<128x128xf32, #tpu.memory_space<vmem>> -> memref<64x128xf32, #tpu.memory_space<vmem>>
      %dma_wait3A_72 = arith.constant 0 : i32
      %dma_wait3A_73 = tpu.memref_slice %arg7[%while3A_62, %dma_wait3A_72] : memref<106x64xi32, #tpu.memory_space<vmem>> -> memref<1x64xi32, #tpu.memory_space<vmem>>
      %dma_wait3A_74 = tpu.memref_squeeze %dma_wait3A_73 : memref<1x64xi32, #tpu.memory_space<vmem>> -> memref<64xi32, #tpu.memory_space<vmem>>
      %dma_wait3A_75 = arith.constant 0 : i32
      %dma_wait3A_76 = arith.constant 0 : i32
      %dma_wait3A_77 = tpu.memref_slice %arg2[%dma_wait3A_75, %dma_wait3A_76] : memref<10000x128xf32, #tpu.memory_space<hbm>> -> memref<10000x128xf32, #tpu.memory_space<hbm>>
      %dma_wait3A_78 = tpu.memref_slice %arg11[%rem3A_64] : memref<2x!tpu.dma_semaphore, #tpu.memory_space<semaphore_mem>> -> memref<1x!tpu.dma_semaphore, #tpu.memory_space<semaphore_mem>>
      %dma_wait3A_79 = tpu.memref_squeeze %dma_wait3A_78 : memref<1x!tpu.dma_semaphore, #tpu.memory_space<semaphore_mem>> -> memref<!tpu.dma_semaphore, #tpu.memory_space<semaphore_mem>>
      tpu.wait_indirect_dma semaphore(%dma_wait3A_79 : memref<!tpu.dma_semaphore, #tpu.memory_space<semaphore_mem>>) src(%dma_wait3A_77 : memref<10000x128xf32, #tpu.memory_space<hbm>>) dst(%dma_wait3A_71 : memref<64x128xf32, #tpu.memory_space<vmem>>)
      %mul3A_80 = arith.constant 64 : i32
      %mul3A_81 = arith.muli %rem3A_64, %mul3A_80 : i32
      "tpu.region"() ({
        %run_scoped3A_82 = tpu.sem_alloc : memref<!tpu.dma_semaphore, #tpu.memory_space<semaphore_mem>>
        %dma_start3A_83 = arith.constant 0 : i32
        %dma_start3A_84 = tpu.memref_slice %arg9[%mul3A_81, %dma_start3A_83] : memref<128x128xf32, #tpu.memory_space<vmem>> -> memref<64x128xf32, #tpu.memory_space<vmem>>
        %dma_start3A_85 = arith.constant 0 : i32
        %dma_start3A_86 = tpu.memref_slice %arg8[%while3A_62, %dma_start3A_85] : memref<106x64xi32, #tpu.memory_space<vmem>> -> memref<1x64xi32, #tpu.memory_space<vmem>>
        %dma_start3A_87 = tpu.memref_squeeze %dma_start3A_86 : memref<1x64xi32, #tpu.memory_space<vmem>> -> memref<64xi32, #tpu.memory_space<vmem>>
        %dma_start3A_88 = arith.constant 0 : i32
        %dma_start3A_89 = arith.constant 0 : i32
        %dma_start3A_90 = tpu.memref_slice %arg10[%dma_start3A_88, %dma_start3A_89] : memref<10112x128xf32, #tpu.memory_space<vmem_shared>> -> memref<10112x128xf32, #tpu.memory_space<vmem_shared>>
        tpu.enqueue_indirect_dma source(%dma_start3A_84 : memref<64x128xf32, #tpu.memory_space<vmem>>) target(%dma_start3A_90 : memref<10112x128xf32, #tpu.memory_space<vmem_shared>>) offsets(%dma_start3A_87 : memref<64xi32, #tpu.memory_space<vmem>>) semaphore(%run_scoped3A_82 : memref<!tpu.dma_semaphore, #tpu.memory_space<semaphore_mem>>) {add = true}
        %dma_wait3A_91 = arith.constant 0 : i32
        %dma_wait3A_92 = tpu.memref_slice %arg9[%mul3A_81, %dma_wait3A_91] : memref<128x128xf32, #tpu.memory_space<vmem>> -> memref<64x128xf32, #tpu.memory_space<vmem>>
        %dma_wait3A_93 = arith.constant 0 : i32
        %dma_wait3A_94 = tpu.memref_slice %arg8[%while3A_62, %dma_wait3A_93] : memref<106x64xi32, #tpu.memory_space<vmem>> -> memref<1x64xi32, #tpu.memory_space<vmem>>
        %dma_wait3A_95 = tpu.memref_squeeze %dma_wait3A_94 : memref<1x64xi32, #tpu.memory_space<vmem>> -> memref<64xi32, #tpu.memory_space<vmem>>
        %dma_wait3A_96 = arith.constant 0 : i32
        %dma_wait3A_97 = arith.constant 0 : i32
        %dma_wait3A_98 = tpu.memref_slice %arg10[%dma_wait3A_96, %dma_wait3A_97] : memref<10112x128xf32, #tpu.memory_space<vmem_shared>> -> memref<10112x128xf32, #tpu.memory_space<vmem_shared>>
        tpu.wait_indirect_dma semaphore(%run_scoped3A_82 : memref<!tpu.dma_semaphore, #tpu.memory_space<semaphore_mem>>) src(%dma_wait3A_92 : memref<64x128xf32, #tpu.memory_space<vmem>>) dst(%dma_wait3A_98 : memref<10112x128xf32, #tpu.memory_space<vmem_shared>>)
        tpu.yield
      }) : () -> ()
    }
    %run_scoped3A_29 = arith.constant 1 : i32
    "tpu.region"() ({
      %run_scoped3A_62 = tpu.sem_alloc : memref<!tpu.dma_semaphore, #tpu.memory_space<semaphore_mem>>
      %dma_start3A_63 = arith.constant 0 : i32
      %dma_start3A_64 = arith.constant 0 : i32
      %dma_start3A_65 = tpu.memref_slice %arg3[%add3A, %run_scoped3A_29, %dma_start3A_63, %dma_start3A_64] : memref<32x2x106x64xi32, #tpu.memory_space<hbm>> -> memref<1x1x106x64xi32, #tpu.memory_space<hbm>>
      %dma_start3A_66 = tpu.memref_squeeze %dma_start3A_65 : memref<1x1x106x64xi32, #tpu.memory_space<hbm>> -> memref<106x64xi32, #tpu.memory_space<hbm>>
      %dma_start3A_67 = arith.constant 0 : i32
      %dma_start3A_68 = arith.constant 0 : i32
      %dma_start3A_69 = tpu.memref_slice %arg3[%add3A, %run_scoped3A_29, %dma_start3A_67, %dma_start3A_68] : memref<32x2x106x64xi32, #tpu.memory_space<hbm>> -> memref<1x1x106x64xi32, #tpu.memory_space<hbm>>
      %dma_start3A_70 = tpu.memref_squeeze %dma_start3A_69 : memref<1x1x106x64xi32, #tpu.memory_space<hbm>> -> memref<106x64xi32, #tpu.memory_space<hbm>>
      tpu.enqueue_dma source(%dma_start3A_70 : memref<106x64xi32, #tpu.memory_space<hbm>>) target(%arg7 : memref<106x64xi32, #tpu.memory_space<vmem>>) target_semaphore(%run_scoped3A_62 : memref<!tpu.dma_semaphore, #tpu.memory_space<semaphore_mem>>)
      %dma_wait3A = arith.constant 0 : i32
      %dma_wait3A_71 = arith.constant 0 : i32
      %dma_wait3A_72 = tpu.memref_slice %arg3[%add3A, %run_scoped3A_29, %dma_wait3A, %dma_wait3A_71] : memref<32x2x106x64xi32, #tpu.memory_space<hbm>> -> memref<1x1x106x64xi32, #tpu.memory_space<hbm>>
      %dma_wait3A_73 = tpu.memref_squeeze %dma_wait3A_72 : memref<1x1x106x64xi32, #tpu.memory_space<hbm>> -> memref<106x64xi32, #tpu.memory_space<hbm>>
      %dma_wait3A_74 = arith.constant 0 : i32
      %dma_wait3A_75 = arith.constant 0 : i32
      %dma_wait3A_76 = tpu.memref_slice %arg3[%add3A, %run_scoped3A_29, %dma_wait3A_74, %dma_wait3A_75] : memref<32x2x106x64xi32, #tpu.memory_space<hbm>> -> memref<1x1x106x64xi32, #tpu.memory_space<hbm>>
      %dma_wait3A_77 = tpu.memref_squeeze %dma_wait3A_76 : memref<1x1x106x64xi32, #tpu.memory_space<hbm>> -> memref<106x64xi32, #tpu.memory_space<hbm>>
      tpu.wait_dma2 semaphore(%run_scoped3A_62 : memref<!tpu.dma_semaphore, #tpu.memory_space<semaphore_mem>>) src(%dma_wait3A_77 : memref<106x64xi32, #tpu.memory_space<hbm>>) dst(%arg7 : memref<106x64xi32, #tpu.memory_space<vmem>>)
      tpu.yield
    }) : () -> ()
    %run_scoped3A_30 = arith.constant 1 : i32
    "tpu.region"() ({
      %run_scoped3A_62 = tpu.sem_alloc : memref<!tpu.dma_semaphore, #tpu.memory_space<semaphore_mem>>
      %dma_start3A_63 = arith.constant 0 : i32
      %dma_start3A_64 = arith.constant 0 : i32
      %dma_start3A_65 = tpu.memref_slice %arg4[%add3A, %run_scoped3A_30, %dma_start3A_63, %dma_start3A_64] : memref<32x2x106x64xi32, #tpu.memory_space<hbm>> -> memref<1x1x106x64xi32, #tpu.memory_space<hbm>>
      %dma_start3A_66 = tpu.memref_squeeze %dma_start3A_65 : memref<1x1x106x64xi32, #tpu.memory_space<hbm>> -> memref<106x64xi32, #tpu.memory_space<hbm>>
      %dma_start3A_67 = arith.constant 0 : i32
      %dma_start3A_68 = arith.constant 0 : i32
      %dma_start3A_69 = tpu.memref_slice %arg4[%add3A, %run_scoped3A_30, %dma_start3A_67, %dma_start3A_68] : memref<32x2x106x64xi32, #tpu.memory_space<hbm>> -> memref<1x1x106x64xi32, #tpu.memory_space<hbm>>
      %dma_start3A_70 = tpu.memref_squeeze %dma_start3A_69 : memref<1x1x106x64xi32, #tpu.memory_space<hbm>> -> memref<106x64xi32, #tpu.memory_space<hbm>>
      tpu.enqueue_dma source(%dma_start3A_70 : memref<106x64xi32, #tpu.memory_space<hbm>>) target(%arg8 : memref<106x64xi32, #tpu.memory_space<vmem>>) target_semaphore(%run_scoped3A_62 : memref<!tpu.dma_semaphore, #tpu.memory_space<semaphore_mem>>)
      %dma_wait3A = arith.constant 0 : i32
      %dma_wait3A_71 = arith.constant 0 : i32
      %dma_wait3A_72 = tpu.memref_slice %arg4[%add3A, %run_scoped3A_30, %dma_wait3A, %dma_wait3A_71] : memref<32x2x106x64xi32, #tpu.memory_space<hbm>> -> memref<1x1x106x64xi32, #tpu.memory_space<hbm>>
      %dma_wait3A_73 = tpu.memref_squeeze %dma_wait3A_72 : memref<1x1x106x64xi32, #tpu.memory_space<hbm>> -> memref<106x64xi32, #tpu.memory_space<hbm>>
      %dma_wait3A_74 = arith.constant 0 : i32
      %dma_wait3A_75 = arith.constant 0 : i32
      %dma_wait3A_76 = tpu.memref_slice %arg4[%add3A, %run_scoped3A_30, %dma_wait3A_74, %dma_wait3A_75] : memref<32x2x106x64xi32, #tpu.memory_space<hbm>> -> memref<1x1x106x64xi32, #tpu.memory_space<hbm>>
      %dma_wait3A_77 = tpu.memref_squeeze %dma_wait3A_76 : memref<1x1x106x64xi32, #tpu.memory_space<hbm>> -> memref<106x64xi32, #tpu.memory_space<hbm>>
      tpu.wait_dma2 semaphore(%run_scoped3A_62 : memref<!tpu.dma_semaphore, #tpu.memory_space<semaphore_mem>>) src(%dma_wait3A_77 : memref<106x64xi32, #tpu.memory_space<hbm>>) dst(%arg8 : memref<106x64xi32, #tpu.memory_space<vmem>>)
      tpu.yield
    }) : () -> ()
    %rem3A_31 = arith.constant 0 : i32
    %rem3A_32 = arith.constant 2 : i32
    %rem3A_33 = arith.remsi %rem3A_31, %rem3A_32 : i32
    %mul3A_34 = arith.constant 64 : i32
    %mul3A_35 = arith.muli %rem3A_33, %mul3A_34 : i32
    %dma_start3A_36 = arith.constant 0 : i32
    %dma_start3A_37 = arith.constant 0 : i32
    %dma_start3A_38 = tpu.memref_slice %arg9[%mul3A_35, %dma_start3A_37] : memref<128x128xf32, #tpu.memory_space<vmem>> -> memref<64x128xf32, #tpu.memory_space<vmem>>
    %dma_start3A_39 = arith.constant 0 : i32
    %dma_start3A_40 = tpu.memref_slice %arg7[%dma_start3A_36, %dma_start3A_39] : memref<106x64xi32, #tpu.memory_space<vmem>> -> memref<1x64xi32, #tpu.memory_space<vmem>>
    %dma_start3A_41 = tpu.memref_squeeze %dma_start3A_40 : memref<1x64xi32, #tpu.memory_space<vmem>> -> memref<64xi32, #tpu.memory_space<vmem>>
    %dma_start3A_42 = arith.constant 0 : i32
    %dma_start3A_43 = arith.constant 0 : i32
    %dma_start3A_44 = tpu.memref_slice %arg2[%dma_start3A_42, %dma_start3A_43] : memref<10000x128xf32, #tpu.memory_space<hbm>> -> memref<10000x128xf32, #tpu.memory_space<hbm>>
    %dma_start3A_45 = tpu.memref_slice %arg11[%rem3A_33] : memref<2x!tpu.dma_semaphore, #tpu.memory_space<semaphore_mem>> -> memref<1x!tpu.dma_semaphore, #tpu.memory_space<semaphore_mem>>
    %dma_start3A_46 = tpu.memref_squeeze %dma_start3A_45 : memref<1x!tpu.dma_semaphore, #tpu.memory_space<semaphore_mem>> -> memref<!tpu.dma_semaphore, #tpu.memory_space<semaphore_mem>>
    tpu.enqueue_indirect_dma source(%dma_start3A_44 : memref<10000x128xf32, #tpu.memory_space<hbm>>) target(%dma_start3A_38 : memref<64x128xf32, #tpu.memory_space<vmem>>) offsets(%dma_start3A_41 : memref<64xi32, #tpu.memory_space<vmem>>) semaphore(%dma_start3A_46 : memref<!tpu.dma_semaphore, #tpu.memory_space<semaphore_mem>>)
    %while3A_47 = arith.constant 0 : i32
    %while3A_48 = arith.constant 0 : i32
    %while3A_49 = arith.subi %select_n3A, %while3A_48 : i32
    %while3A_50 = arith.addi %while3A_48, %while3A_49 : i32
    %while3A_51 = arith.constant 1 : i32
    %while3A_52 = arith.divsi %while3A_49, %while3A_51 : i32
    %while3A_53 = arith.muli %while3A_52, %while3A_51 : i32
    %while3A_54 = arith.addi %while3A_48, %while3A_53 : i32
    %while3A_55 = arith.constant 1 : i32
    scf.for %while3A_62 = %while3A_48 to %while3A_54 step %while3A_55  : i32 {
      %rem3A_63 = arith.constant 2 : i32
      %rem3A_64 = arith.remsi %while3A_62, %rem3A_63 : i32
      %add3A_65 = arith.constant 2 : i32
      %add3A_66 = arith.addi %while3A_62, %add3A_65 : i32
      %sub3A = arith.constant 1 : i32
      %sub3A_67 = arith.subi %add3A_66, %sub3A : i32
      %lt3A = arith.cmpi slt, %sub3A_67, %select_n3A : i32
      %convert_element_type3A = arith.extui %lt3A : i1 to i32
      %cond3A = arith.constant 0 : i32
      %cond3A_68 = arith.cmpi ne, %convert_element_type3A, %cond3A : i32
      scf.if %cond3A_68 {
        %add3A_82 = arith.constant 2 : i32
        %add3A_83 = arith.addi %while3A_62, %add3A_82 : i32
        %sub3A_84 = arith.constant 1 : i32
        %sub3A_85 = arith.subi %add3A_83, %sub3A_84 : i32
        %rem3A_86 = arith.constant 2 : i32
        %rem3A_87 = arith.remsi %sub3A_85, %rem3A_86 : i32
        %mul3A_88 = arith.constant 64 : i32
        %mul3A_89 = arith.muli %rem3A_87, %mul3A_88 : i32
        %dma_start3A_90 = arith.constant 0 : i32
        %dma_start3A_91 = tpu.memref_slice %arg9[%mul3A_89, %dma_start3A_90] : memref<128x128xf32, #tpu.memory_space<vmem>> -> memref<64x128xf32, #tpu.memory_space<vmem>>
        %dma_start3A_92 = arith.constant 0 : i32
        %dma_start3A_93 = tpu.memref_slice %arg7[%sub3A_85, %dma_start3A_92] : memref<106x64xi32, #tpu.memory_space<vmem>> -> memref<1x64xi32, #tpu.memory_space<vmem>>
        %dma_start3A_94 = tpu.memref_squeeze %dma_start3A_93 : memref<1x64xi32, #tpu.memory_space<vmem>> -> memref<64xi32, #tpu.memory_space<vmem>>
        %dma_start3A_95 = arith.constant 0 : i32
        %dma_start3A_96 = arith.constant 0 : i32
        %dma_start3A_97 = tpu.memref_slice %arg2[%dma_start3A_95, %dma_start3A_96] : memref<10000x128xf32, #tpu.memory_space<hbm>> -> memref<10000x128xf32, #tpu.memory_space<hbm>>
        %dma_start3A_98 = tpu.memref_slice %arg11[%rem3A_87] : memref<2x!tpu.dma_semaphore, #tpu.memory_space<semaphore_mem>> -> memref<1x!tpu.dma_semaphore, #tpu.memory_space<semaphore_mem>>
        %dma_start3A_99 = tpu.memref_squeeze %dma_start3A_98 : memref<1x!tpu.dma_semaphore, #tpu.memory_space<semaphore_mem>> -> memref<!tpu.dma_semaphore, #tpu.memory_space<semaphore_mem>>
        tpu.enqueue_indirect_dma source(%dma_start3A_97 : memref<10000x128xf32, #tpu.memory_space<hbm>>) target(%dma_start3A_91 : memref<64x128xf32, #tpu.memory_space<vmem>>) offsets(%dma_start3A_94 : memref<64xi32, #tpu.memory_space<vmem>>) semaphore(%dma_start3A_99 : memref<!tpu.dma_semaphore, #tpu.memory_space<semaphore_mem>>)
      } else {
      }
      %mul3A_69 = arith.constant 64 : i32
      %mul3A_70 = arith.muli %rem3A_64, %mul3A_69 : i32
      %dma_wait3A = arith.constant 0 : i32
      %dma_wait3A_71 = tpu.memref_slice %arg9[%mul3A_70, %dma_wait3A] : memref<128x128xf32, #tpu.memory_space<vmem>> -> memref<64x128xf32, #tpu.memory_space<vmem>>
      %dma_wait3A_72 = arith.constant 0 : i32
      %dma_wait3A_73 = tpu.memref_slice %arg7[%while3A_62, %dma_wait3A_72] : memref<106x64xi32, #tpu.memory_space<vmem>> -> memref<1x64xi32, #tpu.memory_space<vmem>>
      %dma_wait3A_74 = tpu.memref_squeeze %dma_wait3A_73 : memref<1x64xi32, #tpu.memory_space<vmem>> -> memref<64xi32, #tpu.memory_space<vmem>>
      %dma_wait3A_75 = arith.constant 0 : i32
      %dma_wait3A_76 = arith.constant 0 : i32
      %dma_wait3A_77 = tpu.memref_slice %arg2[%dma_wait3A_75, %dma_wait3A_76] : memref<10000x128xf32, #tpu.memory_space<hbm>> -> memref<10000x128xf32, #tpu.memory_space<hbm>>
      %dma_wait3A_78 = tpu.memref_slice %arg11[%rem3A_64] : memref<2x!tpu.dma_semaphore, #tpu.memory_space<semaphore_mem>> -> memref<1x!tpu.dma_semaphore, #tpu.memory_space<semaphore_mem>>
      %dma_wait3A_79 = tpu.memref_squeeze %dma_wait3A_78 : memref<1x!tpu.dma_semaphore, #tpu.memory_space<semaphore_mem>> -> memref<!tpu.dma_semaphore, #tpu.memory_space<semaphore_mem>>
      tpu.wait_indirect_dma semaphore(%dma_wait3A_79 : memref<!tpu.dma_semaphore, #tpu.memory_space<semaphore_mem>>) src(%dma_wait3A_77 : memref<10000x128xf32, #tpu.memory_space<hbm>>) dst(%dma_wait3A_71 : memref<64x128xf32, #tpu.memory_space<vmem>>)
      %mul3A_80 = arith.constant 64 : i32
      %mul3A_81 = arith.muli %rem3A_64, %mul3A_80 : i32
      "tpu.region"() ({
        %run_scoped3A_82 = tpu.sem_alloc : memref<!tpu.dma_semaphore, #tpu.memory_space<semaphore_mem>>
        %dma_start3A_83 = arith.constant 0 : i32
        %dma_start3A_84 = tpu.memref_slice %arg9[%mul3A_81, %dma_start3A_83] : memref<128x128xf32, #tpu.memory_space<vmem>> -> memref<64x128xf32, #tpu.memory_space<vmem>>
        %dma_start3A_85 = arith.constant 0 : i32
        %dma_start3A_86 = tpu.memref_slice %arg8[%while3A_62, %dma_start3A_85] : memref<106x64xi32, #tpu.memory_space<vmem>> -> memref<1x64xi32, #tpu.memory_space<vmem>>
        %dma_start3A_87 = tpu.memref_squeeze %dma_start3A_86 : memref<1x64xi32, #tpu.memory_space<vmem>> -> memref<64xi32, #tpu.memory_space<vmem>>
        %dma_start3A_88 = arith.constant 0 : i32
        %dma_start3A_89 = arith.constant 0 : i32
        %dma_start3A_90 = tpu.memref_slice %arg10[%dma_start3A_88, %dma_start3A_89] : memref<10112x128xf32, #tpu.memory_space<vmem_shared>> -> memref<10112x128xf32, #tpu.memory_space<vmem_shared>>
        tpu.enqueue_indirect_dma source(%dma_start3A_84 : memref<64x128xf32, #tpu.memory_space<vmem>>) target(%dma_start3A_90 : memref<10112x128xf32, #tpu.memory_space<vmem_shared>>) offsets(%dma_start3A_87 : memref<64xi32, #tpu.memory_space<vmem>>) semaphore(%run_scoped3A_82 : memref<!tpu.dma_semaphore, #tpu.memory_space<semaphore_mem>>) {add = true}
        %dma_wait3A_91 = arith.constant 0 : i32
        %dma_wait3A_92 = tpu.memref_slice %arg9[%mul3A_81, %dma_wait3A_91] : memref<128x128xf32, #tpu.memory_space<vmem>> -> memref<64x128xf32, #tpu.memory_space<vmem>>
        %dma_wait3A_93 = arith.constant 0 : i32
        %dma_wait3A_94 = tpu.memref_slice %arg8[%while3A_62, %dma_wait3A_93] : memref<106x64xi32, #tpu.memory_space<vmem>> -> memref<1x64xi32, #tpu.memory_space<vmem>>
        %dma_wait3A_95 = tpu.memref_squeeze %dma_wait3A_94 : memref<1x64xi32, #tpu.memory_space<vmem>> -> memref<64xi32, #tpu.memory_space<vmem>>
        %dma_wait3A_96 = arith.constant 0 : i32
        %dma_wait3A_97 = arith.constant 0 : i32
        %dma_wait3A_98 = tpu.memref_slice %arg10[%dma_wait3A_96, %dma_wait3A_97] : memref<10112x128xf32, #tpu.memory_space<vmem_shared>> -> memref<10112x128xf32, #tpu.memory_space<vmem_shared>>
        tpu.wait_indirect_dma semaphore(%run_scoped3A_82 : memref<!tpu.dma_semaphore, #tpu.memory_space<semaphore_mem>>) src(%dma_wait3A_92 : memref<64x128xf32, #tpu.memory_space<vmem>>) dst(%dma_wait3A_98 : memref<10112x128xf32, #tpu.memory_space<vmem_shared>>)
        tpu.yield
      }) : () -> ()
    }
    %while3A_56 = arith.constant 1 : i32
    scf.for %while3A_62 = %while3A_54 to %while3A_50 step %while3A_56  : i32 {
      %rem3A_63 = arith.constant 2 : i32
      %rem3A_64 = arith.remsi %while3A_62, %rem3A_63 : i32
      %add3A_65 = arith.constant 2 : i32
      %add3A_66 = arith.addi %while3A_62, %add3A_65 : i32
      %sub3A = arith.constant 1 : i32
      %sub3A_67 = arith.subi %add3A_66, %sub3A : i32
      %lt3A = arith.cmpi slt, %sub3A_67, %select_n3A : i32
      %convert_element_type3A = arith.extui %lt3A : i1 to i32
      %cond3A = arith.constant 0 : i32
      %cond3A_68 = arith.cmpi ne, %convert_element_type3A, %cond3A : i32
      scf.if %cond3A_68 {
        %add3A_82 = arith.constant 2 : i32
        %add3A_83 = arith.addi %while3A_62, %add3A_82 : i32
        %sub3A_84 = arith.constant 1 : i32
        %sub3A_85 = arith.subi %add3A_83, %sub3A_84 : i32
        %rem3A_86 = arith.constant 2 : i32
        %rem3A_87 = arith.remsi %sub3A_85, %rem3A_86 : i32
        %mul3A_88 = arith.constant 64 : i32
        %mul3A_89 = arith.muli %rem3A_87, %mul3A_88 : i32
        %dma_start3A_90 = arith.constant 0 : i32
        %dma_start3A_91 = tpu.memref_slice %arg9[%mul3A_89, %dma_start3A_90] : memref<128x128xf32, #tpu.memory_space<vmem>> -> memref<64x128xf32, #tpu.memory_space<vmem>>
        %dma_start3A_92 = arith.constant 0 : i32
        %dma_start3A_93 = tpu.memref_slice %arg7[%sub3A_85, %dma_start3A_92] : memref<106x64xi32, #tpu.memory_space<vmem>> -> memref<1x64xi32, #tpu.memory_space<vmem>>
        %dma_start3A_94 = tpu.memref_squeeze %dma_start3A_93 : memref<1x64xi32, #tpu.memory_space<vmem>> -> memref<64xi32, #tpu.memory_space<vmem>>
        %dma_start3A_95 = arith.constant 0 : i32
        %dma_start3A_96 = arith.constant 0 : i32
        %dma_start3A_97 = tpu.memref_slice %arg2[%dma_start3A_95, %dma_start3A_96] : memref<10000x128xf32, #tpu.memory_space<hbm>> -> memref<10000x128xf32, #tpu.memory_space<hbm>>
        %dma_start3A_98 = tpu.memref_slice %arg11[%rem3A_87] : memref<2x!tpu.dma_semaphore, #tpu.memory_space<semaphore_mem>> -> memref<1x!tpu.dma_semaphore, #tpu.memory_space<semaphore_mem>>
        %dma_start3A_99 = tpu.memref_squeeze %dma_start3A_98 : memref<1x!tpu.dma_semaphore, #tpu.memory_space<semaphore_mem>> -> memref<!tpu.dma_semaphore, #tpu.memory_space<semaphore_mem>>
        tpu.enqueue_indirect_dma source(%dma_start3A_97 : memref<10000x128xf32, #tpu.memory_space<hbm>>) target(%dma_start3A_91 : memref<64x128xf32, #tpu.memory_space<vmem>>) offsets(%dma_start3A_94 : memref<64xi32, #tpu.memory_space<vmem>>) semaphore(%dma_start3A_99 : memref<!tpu.dma_semaphore, #tpu.memory_space<semaphore_mem>>)
      } else {
      }
      %mul3A_69 = arith.constant 64 : i32
      %mul3A_70 = arith.muli %rem3A_64, %mul3A_69 : i32
      %dma_wait3A = arith.constant 0 : i32
      %dma_wait3A_71 = tpu.memref_slice %arg9[%mul3A_70, %dma_wait3A] : memref<128x128xf32, #tpu.memory_space<vmem>> -> memref<64x128xf32, #tpu.memory_space<vmem>>
      %dma_wait3A_72 = arith.constant 0 : i32
      %dma_wait3A_73 = tpu.memref_slice %arg7[%while3A_62, %dma_wait3A_72] : memref<106x64xi32, #tpu.memory_space<vmem>> -> memref<1x64xi32, #tpu.memory_space<vmem>>
      %dma_wait3A_74 = tpu.memref_squeeze %dma_wait3A_73 : memref<1x64xi32, #tpu.memory_space<vmem>> -> memref<64xi32, #tpu.memory_space<vmem>>
      %dma_wait3A_75 = arith.constant 0 : i32
      %dma_wait3A_76 = arith.constant 0 : i32
      %dma_wait3A_77 = tpu.memref_slice %arg2[%dma_wait3A_75, %dma_wait3A_76] : memref<10000x128xf32, #tpu.memory_space<hbm>> -> memref<10000x128xf32, #tpu.memory_space<hbm>>
      %dma_wait3A_78 = tpu.memref_slice %arg11[%rem3A_64] : memref<2x!tpu.dma_semaphore, #tpu.memory_space<semaphore_mem>> -> memref<1x!tpu.dma_semaphore, #tpu.memory_space<semaphore_mem>>
      %dma_wait3A_79 = tpu.memref_squeeze %dma_wait3A_78 : memref<1x!tpu.dma_semaphore, #tpu.memory_space<semaphore_mem>> -> memref<!tpu.dma_semaphore, #tpu.memory_space<semaphore_mem>>
      tpu.wait_indirect_dma semaphore(%dma_wait3A_79 : memref<!tpu.dma_semaphore, #tpu.memory_space<semaphore_mem>>) src(%dma_wait3A_77 : memref<10000x128xf32, #tpu.memory_space<hbm>>) dst(%dma_wait3A_71 : memref<64x128xf32, #tpu.memory_space<vmem>>)
      %mul3A_80 = arith.constant 64 : i32
      %mul3A_81 = arith.muli %rem3A_64, %mul3A_80 : i32
      "tpu.region"() ({
        %run_scoped3A_82 = tpu.sem_alloc : memref<!tpu.dma_semaphore, #tpu.memory_space<semaphore_mem>>
        %dma_start3A_83 = arith.constant 0 : i32
        %dma_start3A_84 = tpu.memref_slice %arg9[%mul3A_81, %dma_start3A_83] : memref<128x128xf32, #tpu.memory_space<vmem>> -> memref<64x128xf32, #tpu.memory_space<vmem>>
        %dma_start3A_85 = arith.constant 0 : i32
        %dma_start3A_86 = tpu.memref_slice %arg8[%while3A_62, %dma_start3A_85] : memref<106x64xi32, #tpu.memory_space<vmem>> -> memref<1x64xi32, #tpu.memory_space<vmem>>
        %dma_start3A_87 = tpu.memref_squeeze %dma_start3A_86 : memref<1x64xi32, #tpu.memory_space<vmem>> -> memref<64xi32, #tpu.memory_space<vmem>>
        %dma_start3A_88 = arith.constant 0 : i32
        %dma_start3A_89 = arith.constant 0 : i32
        %dma_start3A_90 = tpu.memref_slice %arg10[%dma_start3A_88, %dma_start3A_89] : memref<10112x128xf32, #tpu.memory_space<vmem_shared>> -> memref<10112x128xf32, #tpu.memory_space<vmem_shared>>
        tpu.enqueue_indirect_dma source(%dma_start3A_84 : memref<64x128xf32, #tpu.memory_space<vmem>>) target(%dma_start3A_90 : memref<10112x128xf32, #tpu.memory_space<vmem_shared>>) offsets(%dma_start3A_87 : memref<64xi32, #tpu.memory_space<vmem>>) semaphore(%run_scoped3A_82 : memref<!tpu.dma_semaphore, #tpu.memory_space<semaphore_mem>>) {add = true}
        %dma_wait3A_91 = arith.constant 0 : i32
        %dma_wait3A_92 = tpu.memref_slice %arg9[%mul3A_81, %dma_wait3A_91] : memref<128x128xf32, #tpu.memory_space<vmem>> -> memref<64x128xf32, #tpu.memory_space<vmem>>
        %dma_wait3A_93 = arith.constant 0 : i32
        %dma_wait3A_94 = tpu.memref_slice %arg8[%while3A_62, %dma_wait3A_93] : memref<106x64xi32, #tpu.memory_space<vmem>> -> memref<1x64xi32, #tpu.memory_space<vmem>>
        %dma_wait3A_95 = tpu.memref_squeeze %dma_wait3A_94 : memref<1x64xi32, #tpu.memory_space<vmem>> -> memref<64xi32, #tpu.memory_space<vmem>>
        %dma_wait3A_96 = arith.constant 0 : i32
        %dma_wait3A_97 = arith.constant 0 : i32
        %dma_wait3A_98 = tpu.memref_slice %arg10[%dma_wait3A_96, %dma_wait3A_97] : memref<10112x128xf32, #tpu.memory_space<vmem_shared>> -> memref<10112x128xf32, #tpu.memory_space<vmem_shared>>
        tpu.wait_indirect_dma semaphore(%run_scoped3A_82 : memref<!tpu.dma_semaphore, #tpu.memory_space<semaphore_mem>>) src(%dma_wait3A_92 : memref<64x128xf32, #tpu.memory_space<vmem>>) dst(%dma_wait3A_98 : memref<10112x128xf32, #tpu.memory_space<vmem_shared>>)
        tpu.yield
      }) : () -> ()
    }
    %barrier3A_57 = arith.constant 0 : index
    tpu.barrier barrier_id(%barrier3A_57)
    %mul3A_58 = arith.constant 632 : i32
    %mul3A_59 = arith.muli %arg1, %mul3A_58 : i32
    %mul3A_60 = arith.constant 632 : i32
    %mul3A_61 = arith.muli %arg1, %mul3A_60 : i32
    "tpu.region"() ({
      %run_scoped3A_62 = tpu.sem_alloc : memref<!tpu.dma_semaphore, #tpu.memory_space<semaphore_mem>>
      %dma_start3A_63 = arith.constant 0 : i32
      %dma_start3A_64 = tpu.memref_slice %arg6[%arg0, %mul3A_61, %dma_start3A_63] : memref<2x10112x128xf32, #tpu.memory_space<hbm>> -> memref<1x632x128xf32, #tpu.memory_space<hbm>>
      %dma_start3A_65 = tpu.memref_squeeze %dma_start3A_64 : memref<1x632x128xf32, #tpu.memory_space<hbm>> -> memref<632x128xf32, #tpu.memory_space<hbm>>
      %dma_start3A_66 = arith.constant 0 : i32
      %dma_start3A_67 = tpu.memref_slice %arg10[%mul3A_59, %dma_start3A_66] : memref<10112x128xf32, #tpu.memory_space<vmem_shared>> -> memref<632x128xf32, #tpu.memory_space<vmem_shared>>
      tpu.enqueue_dma source(%dma_start3A_67 : memref<632x128xf32, #tpu.memory_space<vmem_shared>>) target(%dma_start3A_65 : memref<632x128xf32, #tpu.memory_space<hbm>>) target_semaphore(%run_scoped3A_62 : memref<!tpu.dma_semaphore, #tpu.memory_space<semaphore_mem>>)
      %dma_wait3A = arith.constant 0 : i32
      %dma_wait3A_68 = tpu.memref_slice %arg6[%arg0, %mul3A_61, %dma_wait3A] : memref<2x10112x128xf32, #tpu.memory_space<hbm>> -> memref<1x632x128xf32, #tpu.memory_space<hbm>>
      %dma_wait3A_69 = tpu.memref_squeeze %dma_wait3A_68 : memref<1x632x128xf32, #tpu.memory_space<hbm>> -> memref<632x128xf32, #tpu.memory_space<hbm>>
      %dma_wait3A_70 = arith.constant 0 : i32
      %dma_wait3A_71 = tpu.memref_slice %arg10[%mul3A_59, %dma_wait3A_70] : memref<10112x128xf32, #tpu.memory_space<vmem_shared>> -> memref<632x128xf32, #tpu.memory_space<vmem_shared>>
      tpu.wait_dma2 semaphore(%run_scoped3A_62 : memref<!tpu.dma_semaphore, #tpu.memory_space<semaphore_mem>>) src(%dma_wait3A_71 : memref<632x128xf32, #tpu.memory_space<vmem_shared>>) dst(%dma_wait3A_69 : memref<632x128xf32, #tpu.memory_space<hbm>>)
      tpu.yield
    }) : () -> ()
    return
  }
}

#map = affine_map<(d0, d1) -> (0, 0)>
#map1 = affine_map<(d0, d1) -> (0, 0, 0, 0)>
#map2 = affine_map<(d0, d1) -> (0, 0, 0)>
module attributes {stable_mosaic.version = 14 : i64} {
  func.func @k(%arg0: i32, %arg1: i32, %arg2: memref<10000x128xf32, #tpu.memory_space<hbm>>, %arg3: memref<32x2x106x64xi32, #tpu.memory_space<hbm>>, %arg4: memref<32x2x106x64xi32, #tpu.memory_space<hbm>>, %arg5: memref<632x128xf32, #tpu.memory_space<hbm>>, %arg6: memref<2x10112x128xf32, #tpu.memory_space<hbm>>, %arg7: memref<106x64xi32, #tpu.memory_space<vmem>>, %arg8: memref<106x64xi32, #tpu.memory_space<vmem>>, %arg9: memref<128x128xf32, #tpu.memory_space<vmem>>, %arg10: memref<10112x128xf32, #tpu.memory_space<vmem_shared>>, %arg11: memref<2x!tpu.dma_semaphore, #tpu.memory_space<semaphore_mem>>) attributes {dimension_semantics = [#tpu.dimension_semantics<core_parallel>, #tpu.dimension_semantics<subcore_parallel>], iteration_bounds = array<i64: 2, 16>, scalar_prefetch = 0 : i64, scratch_operands = 5 : i64, tpu.core_type = #tpu.core_type<sc_vector_subcore>, window_params = [{transform_indices = #map}, {transform_indices = #map1}, {transform_indices = #map1}, {transform_indices = #map}, {transform_indices = #map2}]} {
    %mul3A = arith.constant 16 : i32
    %mul3A_0 = arith.muli %arg0, %mul3A : i32
    %add3A = arith.addi %mul3A_0, %arg1 : i32
    %eq3A = arith.constant 0 : i32
    %eq3A_1 = arith.cmpi eq, %arg0, %eq3A : i32
    %jit3A = arith.constant 106 : i32
    %jit3A_2 = arith.constant 52 : i32
    %select_n3A = arith.select %eq3A_1, %jit3A, %jit3A_2 : i32
    %mul3A_3 = arith.constant 632 : i32
    %mul3A_4 = arith.muli %arg1, %mul3A_3 : i32
    "tpu.region"() ({
      %run_scoped3A_62 = tpu.sem_alloc : memref<!tpu.dma_semaphore, #tpu.memory_space<semaphore_mem>>
      %dma_start3A_63 = arith.constant 0 : i32
      %dma_start3A_64 = tpu.memref_slice %arg10[%mul3A_4, %dma_start3A_63] : memref<10112x128xf32, #tpu.memory_space<vmem_shared>> -> memref<632x128xf32, #tpu.memory_space<vmem_shared>>
      tpu.enqueue_dma source(%arg5 : memref<632x128xf32, #tpu.memory_space<hbm>>) target(%dma_start3A_64 : memref<632x128xf32, #tpu.memory_space<vmem_shared>>) target_semaphore(%run_scoped3A_62 : memref<!tpu.dma_semaphore, #tpu.memory_space<semaphore_mem>>)
      %dma_wait3A = arith.constant 0 : i32
      %dma_wait3A_65 = tpu.memref_slice %arg10[%mul3A_4, %dma_wait3A] : memref<10112x128xf32, #tpu.memory_space<vmem_shared>> -> memref<632x128xf32, #tpu.memory_space<vmem_shared>>
      tpu.wait_dma2 semaphore(%run_scoped3A_62 : memref<!tpu.dma_semaphore, #tpu.memory_space<semaphore_mem>>) src(%arg5 : memref<632x128xf32, #tpu.memory_space<hbm>>) dst(%dma_wait3A_65 : memref<632x128xf32, #tpu.memory_space<vmem_shared>>)
      tpu.yield
    }) : () -> ()
    %barrier3A = arith.constant 0 : index
    tpu.barrier barrier_id(%barrier3A)
    %run_scoped3A = arith.constant 0 : i32
    "tpu.region"() ({
      %run_scoped3A_62 = tpu.sem_alloc : memref<!tpu.dma_semaphore, #tpu.memory_space<semaphore_mem>>
      %dma_start3A_63 = arith.constant 0 : i32
      %dma_start3A_64 = arith.constant 0 : i32
      %dma_start3A_65 = tpu.memref_slice %arg3[%add3A, %run_scoped3A, %dma_start3A_63, %dma_start3A_64] : memref<32x2x106x64xi32, #tpu.memory_space<hbm>> -> memref<1x1x106x64xi32, #tpu.memory_space<hbm>>
      %dma_start3A_66 = tpu.memref_squeeze %dma_start3A_65 : memref<1x1x106x64xi32, #tpu.memory_space<hbm>> -> memref<106x64xi32, #tpu.memory_space<hbm>>
      %dma_start3A_67 = arith.constant 0 : i32
      %dma_start3A_68 = arith.constant 0 : i32
      %dma_start3A_69 = tpu.memref_slice %arg3[%add3A, %run_scoped3A, %dma_start3A_67, %dma_start3A_68] : memref<32x2x106x64xi32, #tpu.memory_space<hbm>> -> memref<1x1x106x64xi32, #tpu.memory_space<hbm>>
      %dma_start3A_70 = tpu.memref_squeeze %dma_start3A_69 : memref<1x1x106x64xi32, #tpu.memory_space<hbm>> -> memref<106x64xi32, #tpu.memory_space<hbm>>
      tpu.enqueue_dma source(%dma_start3A_70 : memref<106x64xi32, #tpu.memory_space<hbm>>) target(%arg7 : memref<106x64xi32, #tpu.memory_space<vmem>>) target_semaphore(%run_scoped3A_62 : memref<!tpu.dma_semaphore, #tpu.memory_space<semaphore_mem>>)
      %dma_wait3A = arith.constant 0 : i32
      %dma_wait3A_71 = arith.constant 0 : i32
      %dma_wait3A_72 = tpu.memref_slice %arg3[%add3A, %run_scoped3A, %dma_wait3A, %dma_wait3A_71] : memref<32x2x106x64xi32, #tpu.memory_space<hbm>> -> memref<1x1x106x64xi32, #tpu.memory_space<hbm>>
      %dma_wait3A_73 = tpu.memref_squeeze %dma_wait3A_72 : memref<1x1x106x64xi32, #tpu.memory_space<hbm>> -> memref<106x64xi32, #tpu.memory_space<hbm>>
      %dma_wait3A_74 = arith.constant 0 : i32
      %dma_wait3A_75 = arith.constant 0 : i32
      %dma_wait3A_76 = tpu.memref_slice %arg3[%add3A, %run_scoped3A, %dma_wait3A_74, %dma_wait3A_75] : memref<32x2x106x64xi32, #tpu.memory_space<hbm>> -> memref<1x1x106x64xi32, #tpu.memory_space<hbm>>
      %dma_wait3A_77 = tpu.memref_squeeze %dma_wait3A_76 : memref<1x1x106x64xi32, #tpu.memory_space<hbm>> -> memref<106x64xi32, #tpu.memory_space<hbm>>
      tpu.wait_dma2 semaphore(%run_scoped3A_62 : memref<!tpu.dma_semaphore, #tpu.memory_space<semaphore_mem>>) src(%dma_wait3A_77 : memref<106x64xi32, #tpu.memory_space<hbm>>) dst(%arg7 : memref<106x64xi32, #tpu.memory_space<vmem>>)
      tpu.yield
    }) : () -> ()
    %run_scoped3A_5 = arith.constant 0 : i32
    "tpu.region"() ({
      %run_scoped3A_62 = tpu.sem_alloc : memref<!tpu.dma_semaphore, #tpu.memory_space<semaphore_mem>>
      %dma_start3A_63 = arith.constant 0 : i32
      %dma_start3A_64 = arith.constant 0 : i32
      %dma_start3A_65 = tpu.memref_slice %arg4[%add3A, %run_scoped3A_5, %dma_start3A_63, %dma_start3A_64] : memref<32x2x106x64xi32, #tpu.memory_space<hbm>> -> memref<1x1x106x64xi32, #tpu.memory_space<hbm>>
      %dma_start3A_66 = tpu.memref_squeeze %dma_start3A_65 : memref<1x1x106x64xi32, #tpu.memory_space<hbm>> -> memref<106x64xi32, #tpu.memory_space<hbm>>
      %dma_start3A_67 = arith.constant 0 : i32
      %dma_start3A_68 = arith.constant 0 : i32
      %dma_start3A_69 = tpu.memref_slice %arg4[%add3A, %run_scoped3A_5, %dma_start3A_67, %dma_start3A_68] : memref<32x2x106x64xi32, #tpu.memory_space<hbm>> -> memref<1x1x106x64xi32, #tpu.memory_space<hbm>>
      %dma_start3A_70 = tpu.memref_squeeze %dma_start3A_69 : memref<1x1x106x64xi32, #tpu.memory_space<hbm>> -> memref<106x64xi32, #tpu.memory_space<hbm>>
      tpu.enqueue_dma source(%dma_start3A_70 : memref<106x64xi32, #tpu.memory_space<hbm>>) target(%arg8 : memref<106x64xi32, #tpu.memory_space<vmem>>) target_semaphore(%run_scoped3A_62 : memref<!tpu.dma_semaphore, #tpu.memory_space<semaphore_mem>>)
      %dma_wait3A = arith.constant 0 : i32
      %dma_wait3A_71 = arith.constant 0 : i32
      %dma_wait3A_72 = tpu.memref_slice %arg4[%add3A, %run_scoped3A_5, %dma_wait3A, %dma_wait3A_71] : memref<32x2x106x64xi32, #tpu.memory_space<hbm>> -> memref<1x1x106x64xi32, #tpu.memory_space<hbm>>
      %dma_wait3A_73 = tpu.memref_squeeze %dma_wait3A_72 : memref<1x1x106x64xi32, #tpu.memory_space<hbm>> -> memref<106x64xi32, #tpu.memory_space<hbm>>
      %dma_wait3A_74 = arith.constant 0 : i32
      %dma_wait3A_75 = arith.constant 0 : i32
      %dma_wait3A_76 = tpu.memref_slice %arg4[%add3A, %run_scoped3A_5, %dma_wait3A_74, %dma_wait3A_75] : memref<32x2x106x64xi32, #tpu.memory_space<hbm>> -> memref<1x1x106x64xi32, #tpu.memory_space<hbm>>
      %dma_wait3A_77 = tpu.memref_squeeze %dma_wait3A_76 : memref<1x1x106x64xi32, #tpu.memory_space<hbm>> -> memref<106x64xi32, #tpu.memory_space<hbm>>
      tpu.wait_dma2 semaphore(%run_scoped3A_62 : memref<!tpu.dma_semaphore, #tpu.memory_space<semaphore_mem>>) src(%dma_wait3A_77 : memref<106x64xi32, #tpu.memory_space<hbm>>) dst(%arg8 : memref<106x64xi32, #tpu.memory_space<vmem>>)
      tpu.yield
    }) : () -> ()
    %rem3A = arith.constant 0 : i32
    %rem3A_6 = arith.constant 2 : i32
    %rem3A_7 = arith.remsi %rem3A, %rem3A_6 : i32
    %mul3A_8 = arith.constant 64 : i32
    %mul3A_9 = arith.muli %rem3A_7, %mul3A_8 : i32
    %dma_start3A = arith.constant 0 : i32
    %dma_start3A_10 = arith.constant 0 : i32
    %dma_start3A_11 = tpu.memref_slice %arg9[%mul3A_9, %dma_start3A_10] : memref<128x128xf32, #tpu.memory_space<vmem>> -> memref<64x128xf32, #tpu.memory_space<vmem>>
    %dma_start3A_12 = arith.constant 0 : i32
    %dma_start3A_13 = tpu.memref_slice %arg7[%dma_start3A, %dma_start3A_12] : memref<106x64xi32, #tpu.memory_space<vmem>> -> memref<1x64xi32, #tpu.memory_space<vmem>>
    %dma_start3A_14 = tpu.memref_squeeze %dma_start3A_13 : memref<1x64xi32, #tpu.memory_space<vmem>> -> memref<64xi32, #tpu.memory_space<vmem>>
    %dma_start3A_15 = arith.constant 0 : i32
    %dma_start3A_16 = arith.constant 0 : i32
    %dma_start3A_17 = tpu.memref_slice %arg2[%dma_start3A_15, %dma_start3A_16] : memref<10000x128xf32, #tpu.memory_space<hbm>> -> memref<10000x128xf32, #tpu.memory_space<hbm>>
    %dma_start3A_18 = tpu.memref_slice %arg11[%rem3A_7] : memref<2x!tpu.dma_semaphore, #tpu.memory_space<semaphore_mem>> -> memref<1x!tpu.dma_semaphore, #tpu.memory_space<semaphore_mem>>
    %dma_start3A_19 = tpu.memref_squeeze %dma_start3A_18 : memref<1x!tpu.dma_semaphore, #tpu.memory_space<semaphore_mem>> -> memref<!tpu.dma_semaphore, #tpu.memory_space<semaphore_mem>>
    tpu.enqueue_indirect_dma source(%dma_start3A_17 : memref<10000x128xf32, #tpu.memory_space<hbm>>) target(%dma_start3A_11 : memref<64x128xf32, #tpu.memory_space<vmem>>) offsets(%dma_start3A_14 : memref<64xi32, #tpu.memory_space<vmem>>) semaphore(%dma_start3A_19 : memref<!tpu.dma_semaphore, #tpu.memory_space<semaphore_mem>>)
    %while3A = arith.constant 0 : i32
    %while3A_20 = arith.constant 0 : i32
    %while3A_21 = arith.subi %select_n3A, %while3A_20 : i32
    %while3A_22 = arith.addi %while3A_20, %while3A_21 : i32
    %while3A_23 = arith.constant 1 : i32
    %while3A_24 = arith.divsi %while3A_21, %while3A_23 : i32
    %while3A_25 = arith.muli %while3A_24, %while3A_23 : i32
    %while3A_26 = arith.addi %while3A_20, %while3A_25 : i32
    %while3A_27 = arith.constant 1 : i32
    scf.for %while3A_62 = %while3A_20 to %while3A_26 step %while3A_27  : i32 {
      %rem3A_63 = arith.constant 2 : i32
      %rem3A_64 = arith.remsi %while3A_62, %rem3A_63 : i32
      %add3A_65 = arith.constant 2 : i32
      %add3A_66 = arith.addi %while3A_62, %add3A_65 : i32
      %sub3A = arith.constant 1 : i32
      %sub3A_67 = arith.subi %add3A_66, %sub3A : i32
      %lt3A = arith.cmpi slt, %sub3A_67, %select_n3A : i32
      %convert_element_type3A = arith.extui %lt3A : i1 to i32
      %cond3A = arith.constant 0 : i32
      %cond3A_68 = arith.cmpi ne, %convert_element_type3A, %cond3A : i32
      scf.if %cond3A_68 {
        %add3A_82 = arith.constant 2 : i32
        %add3A_83 = arith.addi %while3A_62, %add3A_82 : i32
        %sub3A_84 = arith.constant 1 : i32
        %sub3A_85 = arith.subi %add3A_83, %sub3A_84 : i32
        %rem3A_86 = arith.constant 2 : i32
        %rem3A_87 = arith.remsi %sub3A_85, %rem3A_86 : i32
        %mul3A_88 = arith.constant 64 : i32
        %mul3A_89 = arith.muli %rem3A_87, %mul3A_88 : i32
        %dma_start3A_90 = arith.constant 0 : i32
        %dma_start3A_91 = tpu.memref_slice %arg9[%mul3A_89, %dma_start3A_90] : memref<128x128xf32, #tpu.memory_space<vmem>> -> memref<64x128xf32, #tpu.memory_space<vmem>>
        %dma_start3A_92 = arith.constant 0 : i32
        %dma_start3A_93 = tpu.memref_slice %arg7[%sub3A_85, %dma_start3A_92] : memref<106x64xi32, #tpu.memory_space<vmem>> -> memref<1x64xi32, #tpu.memory_space<vmem>>
        %dma_start3A_94 = tpu.memref_squeeze %dma_start3A_93 : memref<1x64xi32, #tpu.memory_space<vmem>> -> memref<64xi32, #tpu.memory_space<vmem>>
        %dma_start3A_95 = arith.constant 0 : i32
        %dma_start3A_96 = arith.constant 0 : i32
        %dma_start3A_97 = tpu.memref_slice %arg2[%dma_start3A_95, %dma_start3A_96] : memref<10000x128xf32, #tpu.memory_space<hbm>> -> memref<10000x128xf32, #tpu.memory_space<hbm>>
        %dma_start3A_98 = tpu.memref_slice %arg11[%rem3A_87] : memref<2x!tpu.dma_semaphore, #tpu.memory_space<semaphore_mem>> -> memref<1x!tpu.dma_semaphore, #tpu.memory_space<semaphore_mem>>
        %dma_start3A_99 = tpu.memref_squeeze %dma_start3A_98 : memref<1x!tpu.dma_semaphore, #tpu.memory_space<semaphore_mem>> -> memref<!tpu.dma_semaphore, #tpu.memory_space<semaphore_mem>>
        tpu.enqueue_indirect_dma source(%dma_start3A_97 : memref<10000x128xf32, #tpu.memory_space<hbm>>) target(%dma_start3A_91 : memref<64x128xf32, #tpu.memory_space<vmem>>) offsets(%dma_start3A_94 : memref<64xi32, #tpu.memory_space<vmem>>) semaphore(%dma_start3A_99 : memref<!tpu.dma_semaphore, #tpu.memory_space<semaphore_mem>>)
      } else {
      }
      %mul3A_69 = arith.constant 64 : i32
      %mul3A_70 = arith.muli %rem3A_64, %mul3A_69 : i32
      %dma_wait3A = arith.constant 0 : i32
      %dma_wait3A_71 = tpu.memref_slice %arg9[%mul3A_70, %dma_wait3A] : memref<128x128xf32, #tpu.memory_space<vmem>> -> memref<64x128xf32, #tpu.memory_space<vmem>>
      %dma_wait3A_72 = arith.constant 0 : i32
      %dma_wait3A_73 = tpu.memref_slice %arg7[%while3A_62, %dma_wait3A_72] : memref<106x64xi32, #tpu.memory_space<vmem>> -> memref<1x64xi32, #tpu.memory_space<vmem>>
      %dma_wait3A_74 = tpu.memref_squeeze %dma_wait3A_73 : memref<1x64xi32, #tpu.memory_space<vmem>> -> memref<64xi32, #tpu.memory_space<vmem>>
      %dma_wait3A_75 = arith.constant 0 : i32
      %dma_wait3A_76 = arith.constant 0 : i32
      %dma_wait3A_77 = tpu.memref_slice %arg2[%dma_wait3A_75, %dma_wait3A_76] : memref<10000x128xf32, #tpu.memory_space<hbm>> -> memref<10000x128xf32, #tpu.memory_space<hbm>>
      %dma_wait3A_78 = tpu.memref_slice %arg11[%rem3A_64] : memref<2x!tpu.dma_semaphore, #tpu.memory_space<semaphore_mem>> -> memref<1x!tpu.dma_semaphore, #tpu.memory_space<semaphore_mem>>
      %dma_wait3A_79 = tpu.memref_squeeze %dma_wait3A_78 : memref<1x!tpu.dma_semaphore, #tpu.memory_space<semaphore_mem>> -> memref<!tpu.dma_semaphore, #tpu.memory_space<semaphore_mem>>
      tpu.wait_indirect_dma semaphore(%dma_wait3A_79 : memref<!tpu.dma_semaphore, #tpu.memory_space<semaphore_mem>>) src(%dma_wait3A_77 : memref<10000x128xf32, #tpu.memory_space<hbm>>) dst(%dma_wait3A_71 : memref<64x128xf32, #tpu.memory_space<vmem>>)
      %mul3A_80 = arith.constant 64 : i32
      %mul3A_81 = arith.muli %rem3A_64, %mul3A_80 : i32
      "tpu.region"() ({
        %run_scoped3A_82 = tpu.sem_alloc : memref<!tpu.dma_semaphore, #tpu.memory_space<semaphore_mem>>
        %dma_start3A_83 = arith.constant 0 : i32
        %dma_start3A_84 = tpu.memref_slice %arg9[%mul3A_81, %dma_start3A_83] : memref<128x128xf32, #tpu.memory_space<vmem>> -> memref<64x128xf32, #tpu.memory_space<vmem>>
        %dma_start3A_85 = arith.constant 0 : i32
        %dma_start3A_86 = tpu.memref_slice %arg8[%while3A_62, %dma_start3A_85] : memref<106x64xi32, #tpu.memory_space<vmem>> -> memref<1x64xi32, #tpu.memory_space<vmem>>
        %dma_start3A_87 = tpu.memref_squeeze %dma_start3A_86 : memref<1x64xi32, #tpu.memory_space<vmem>> -> memref<64xi32, #tpu.memory_space<vmem>>
        %dma_start3A_88 = arith.constant 0 : i32
        %dma_start3A_89 = arith.constant 0 : i32
        %dma_start3A_90 = tpu.memref_slice %arg10[%dma_start3A_88, %dma_start3A_89] : memref<10112x128xf32, #tpu.memory_space<vmem_shared>> -> memref<10112x128xf32, #tpu.memory_space<vmem_shared>>
        tpu.enqueue_indirect_dma source(%dma_start3A_84 : memref<64x128xf32, #tpu.memory_space<vmem>>) target(%dma_start3A_90 : memref<10112x128xf32, #tpu.memory_space<vmem_shared>>) offsets(%dma_start3A_87 : memref<64xi32, #tpu.memory_space<vmem>>) semaphore(%run_scoped3A_82 : memref<!tpu.dma_semaphore, #tpu.memory_space<semaphore_mem>>) {add = true}
        %dma_wait3A_91 = arith.constant 0 : i32
        %dma_wait3A_92 = tpu.memref_slice %arg9[%mul3A_81, %dma_wait3A_91] : memref<128x128xf32, #tpu.memory_space<vmem>> -> memref<64x128xf32, #tpu.memory_space<vmem>>
        %dma_wait3A_93 = arith.constant 0 : i32
        %dma_wait3A_94 = tpu.memref_slice %arg8[%while3A_62, %dma_wait3A_93] : memref<106x64xi32, #tpu.memory_space<vmem>> -> memref<1x64xi32, #tpu.memory_space<vmem>>
        %dma_wait3A_95 = tpu.memref_squeeze %dma_wait3A_94 : memref<1x64xi32, #tpu.memory_space<vmem>> -> memref<64xi32, #tpu.memory_space<vmem>>
        %dma_wait3A_96 = arith.constant 0 : i32
        %dma_wait3A_97 = arith.constant 0 : i32
        %dma_wait3A_98 = tpu.memref_slice %arg10[%dma_wait3A_96, %dma_wait3A_97] : memref<10112x128xf32, #tpu.memory_space<vmem_shared>> -> memref<10112x128xf32, #tpu.memory_space<vmem_shared>>
        tpu.wait_indirect_dma semaphore(%run_scoped3A_82 : memref<!tpu.dma_semaphore, #tpu.memory_space<semaphore_mem>>) src(%dma_wait3A_92 : memref<64x128xf32, #tpu.memory_space<vmem>>) dst(%dma_wait3A_98 : memref<10112x128xf32, #tpu.memory_space<vmem_shared>>)
        tpu.yield
      }) : () -> ()
    }
    %while3A_28 = arith.constant 1 : i32
    scf.for %while3A_62 = %while3A_26 to %while3A_22 step %while3A_28  : i32 {
      %rem3A_63 = arith.constant 2 : i32
      %rem3A_64 = arith.remsi %while3A_62, %rem3A_63 : i32
      %add3A_65 = arith.constant 2 : i32
      %add3A_66 = arith.addi %while3A_62, %add3A_65 : i32
      %sub3A = arith.constant 1 : i32
      %sub3A_67 = arith.subi %add3A_66, %sub3A : i32
      %lt3A = arith.cmpi slt, %sub3A_67, %select_n3A : i32
      %convert_element_type3A = arith.extui %lt3A : i1 to i32
      %cond3A = arith.constant 0 : i32
      %cond3A_68 = arith.cmpi ne, %convert_element_type3A, %cond3A : i32
      scf.if %cond3A_68 {
        %add3A_82 = arith.constant 2 : i32
        %add3A_83 = arith.addi %while3A_62, %add3A_82 : i32
        %sub3A_84 = arith.constant 1 : i32
        %sub3A_85 = arith.subi %add3A_83, %sub3A_84 : i32
        %rem3A_86 = arith.constant 2 : i32
        %rem3A_87 = arith.remsi %sub3A_85, %rem3A_86 : i32
        %mul3A_88 = arith.constant 64 : i32
        %mul3A_89 = arith.muli %rem3A_87, %mul3A_88 : i32
        %dma_start3A_90 = arith.constant 0 : i32
        %dma_start3A_91 = tpu.memref_slice %arg9[%mul3A_89, %dma_start3A_90] : memref<128x128xf32, #tpu.memory_space<vmem>> -> memref<64x128xf32, #tpu.memory_space<vmem>>
        %dma_start3A_92 = arith.constant 0 : i32
        %dma_start3A_93 = tpu.memref_slice %arg7[%sub3A_85, %dma_start3A_92] : memref<106x64xi32, #tpu.memory_space<vmem>> -> memref<1x64xi32, #tpu.memory_space<vmem>>
        %dma_start3A_94 = tpu.memref_squeeze %dma_start3A_93 : memref<1x64xi32, #tpu.memory_space<vmem>> -> memref<64xi32, #tpu.memory_space<vmem>>
        %dma_start3A_95 = arith.constant 0 : i32
        %dma_start3A_96 = arith.constant 0 : i32
        %dma_start3A_97 = tpu.memref_slice %arg2[%dma_start3A_95, %dma_start3A_96] : memref<10000x128xf32, #tpu.memory_space<hbm>> -> memref<10000x128xf32, #tpu.memory_space<hbm>>
        %dma_start3A_98 = tpu.memref_slice %arg11[%rem3A_87] : memref<2x!tpu.dma_semaphore, #tpu.memory_space<semaphore_mem>> -> memref<1x!tpu.dma_semaphore, #tpu.memory_space<semaphore_mem>>
        %dma_start3A_99 = tpu.memref_squeeze %dma_start3A_98 : memref<1x!tpu.dma_semaphore, #tpu.memory_space<semaphore_mem>> -> memref<!tpu.dma_semaphore, #tpu.memory_space<semaphore_mem>>
        tpu.enqueue_indirect_dma source(%dma_start3A_97 : memref<10000x128xf32, #tpu.memory_space<hbm>>) target(%dma_start3A_91 : memref<64x128xf32, #tpu.memory_space<vmem>>) offsets(%dma_start3A_94 : memref<64xi32, #tpu.memory_space<vmem>>) semaphore(%dma_start3A_99 : memref<!tpu.dma_semaphore, #tpu.memory_space<semaphore_mem>>)
      } else {
      }
      %mul3A_69 = arith.constant 64 : i32
      %mul3A_70 = arith.muli %rem3A_64, %mul3A_69 : i32
      %dma_wait3A = arith.constant 0 : i32
      %dma_wait3A_71 = tpu.memref_slice %arg9[%mul3A_70, %dma_wait3A] : memref<128x128xf32, #tpu.memory_space<vmem>> -> memref<64x128xf32, #tpu.memory_space<vmem>>
      %dma_wait3A_72 = arith.constant 0 : i32
      %dma_wait3A_73 = tpu.memref_slice %arg7[%while3A_62, %dma_wait3A_72] : memref<106x64xi32, #tpu.memory_space<vmem>> -> memref<1x64xi32, #tpu.memory_space<vmem>>
      %dma_wait3A_74 = tpu.memref_squeeze %dma_wait3A_73 : memref<1x64xi32, #tpu.memory_space<vmem>> -> memref<64xi32, #tpu.memory_space<vmem>>
      %dma_wait3A_75 = arith.constant 0 : i32
      %dma_wait3A_76 = arith.constant 0 : i32
      %dma_wait3A_77 = tpu.memref_slice %arg2[%dma_wait3A_75, %dma_wait3A_76] : memref<10000x128xf32, #tpu.memory_space<hbm>> -> memref<10000x128xf32, #tpu.memory_space<hbm>>
      %dma_wait3A_78 = tpu.memref_slice %arg11[%rem3A_64] : memref<2x!tpu.dma_semaphore, #tpu.memory_space<semaphore_mem>> -> memref<1x!tpu.dma_semaphore, #tpu.memory_space<semaphore_mem>>
      %dma_wait3A_79 = tpu.memref_squeeze %dma_wait3A_78 : memref<1x!tpu.dma_semaphore, #tpu.memory_space<semaphore_mem>> -> memref<!tpu.dma_semaphore, #tpu.memory_space<semaphore_mem>>
      tpu.wait_indirect_dma semaphore(%dma_wait3A_79 : memref<!tpu.dma_semaphore, #tpu.memory_space<semaphore_mem>>) src(%dma_wait3A_77 : memref<10000x128xf32, #tpu.memory_space<hbm>>) dst(%dma_wait3A_71 : memref<64x128xf32, #tpu.memory_space<vmem>>)
      %mul3A_80 = arith.constant 64 : i32
      %mul3A_81 = arith.muli %rem3A_64, %mul3A_80 : i32
      "tpu.region"() ({
        %run_scoped3A_82 = tpu.sem_alloc : memref<!tpu.dma_semaphore, #tpu.memory_space<semaphore_mem>>
        %dma_start3A_83 = arith.constant 0 : i32
        %dma_start3A_84 = tpu.memref_slice %arg9[%mul3A_81, %dma_start3A_83] : memref<128x128xf32, #tpu.memory_space<vmem>> -> memref<64x128xf32, #tpu.memory_space<vmem>>
        %dma_start3A_85 = arith.constant 0 : i32
        %dma_start3A_86 = tpu.memref_slice %arg8[%while3A_62, %dma_start3A_85] : memref<106x64xi32, #tpu.memory_space<vmem>> -> memref<1x64xi32, #tpu.memory_space<vmem>>
        %dma_start3A_87 = tpu.memref_squeeze %dma_start3A_86 : memref<1x64xi32, #tpu.memory_space<vmem>> -> memref<64xi32, #tpu.memory_space<vmem>>
        %dma_start3A_88 = arith.constant 0 : i32
        %dma_start3A_89 = arith.constant 0 : i32
        %dma_start3A_90 = tpu.memref_slice %arg10[%dma_start3A_88, %dma_start3A_89] : memref<10112x128xf32, #tpu.memory_space<vmem_shared>> -> memref<10112x128xf32, #tpu.memory_space<vmem_shared>>
        tpu.enqueue_indirect_dma source(%dma_start3A_84 : memref<64x128xf32, #tpu.memory_space<vmem>>) target(%dma_start3A_90 : memref<10112x128xf32, #tpu.memory_space<vmem_shared>>) offsets(%dma_start3A_87 : memref<64xi32, #tpu.memory_space<vmem>>) semaphore(%run_scoped3A_82 : memref<!tpu.dma_semaphore, #tpu.memory_space<semaphore_mem>>) {add = true}
        %dma_wait3A_91 = arith.constant 0 : i32
        %dma_wait3A_92 = tpu.memref_slice %arg9[%mul3A_81, %dma_wait3A_91] : memref<128x128xf32, #tpu.memory_space<vmem>> -> memref<64x128xf32, #tpu.memory_space<vmem>>
        %dma_wait3A_93 = arith.constant 0 : i32
        %dma_wait3A_94 = tpu.memref_slice %arg8[%while3A_62, %dma_wait3A_93] : memref<106x64xi32, #tpu.memory_space<vmem>> -> memref<1x64xi32, #tpu.memory_space<vmem>>
        %dma_wait3A_95 = tpu.memref_squeeze %dma_wait3A_94 : memref<1x64xi32, #tpu.memory_space<vmem>> -> memref<64xi32, #tpu.memory_space<vmem>>
        %dma_wait3A_96 = arith.constant 0 : i32
        %dma_wait3A_97 = arith.constant 0 : i32
        %dma_wait3A_98 = tpu.memref_slice %arg10[%dma_wait3A_96, %dma_wait3A_97] : memref<10112x128xf32, #tpu.memory_space<vmem_shared>> -> memref<10112x128xf32, #tpu.memory_space<vmem_shared>>
        tpu.wait_indirect_dma semaphore(%run_scoped3A_82 : memref<!tpu.dma_semaphore, #tpu.memory_space<semaphore_mem>>) src(%dma_wait3A_92 : memref<64x128xf32, #tpu.memory_space<vmem>>) dst(%dma_wait3A_98 : memref<10112x128xf32, #tpu.memory_space<vmem_shared>>)
        tpu.yield
      }) : () -> ()
    }
    %run_scoped3A_29 = arith.constant 1 : i32
    "tpu.region"() ({
      %run_scoped3A_62 = tpu.sem_alloc : memref<!tpu.dma_semaphore, #tpu.memory_space<semaphore_mem>>
      %dma_start3A_63 = arith.constant 0 : i32
      %dma_start3A_64 = arith.constant 0 : i32
      %dma_start3A_65 = tpu.memref_slice %arg3[%add3A, %run_scoped3A_29, %dma_start3A_63, %dma_start3A_64] : memref<32x2x106x64xi32, #tpu.memory_space<hbm>> -> memref<1x1x106x64xi32, #tpu.memory_space<hbm>>
      %dma_start3A_66 = tpu.memref_squeeze %dma_start3A_65 : memref<1x1x106x64xi32, #tpu.memory_space<hbm>> -> memref<106x64xi32, #tpu.memory_space<hbm>>
      %dma_start3A_67 = arith.constant 0 : i32
      %dma_start3A_68 = arith.constant 0 : i32
      %dma_start3A_69 = tpu.memref_slice %arg3[%add3A, %run_scoped3A_29, %dma_start3A_67, %dma_start3A_68] : memref<32x2x106x64xi32, #tpu.memory_space<hbm>> -> memref<1x1x106x64xi32, #tpu.memory_space<hbm>>
      %dma_start3A_70 = tpu.memref_squeeze %dma_start3A_69 : memref<1x1x106x64xi32, #tpu.memory_space<hbm>> -> memref<106x64xi32, #tpu.memory_space<hbm>>
      tpu.enqueue_dma source(%dma_start3A_70 : memref<106x64xi32, #tpu.memory_space<hbm>>) target(%arg7 : memref<106x64xi32, #tpu.memory_space<vmem>>) target_semaphore(%run_scoped3A_62 : memref<!tpu.dma_semaphore, #tpu.memory_space<semaphore_mem>>)
      %dma_wait3A = arith.constant 0 : i32
      %dma_wait3A_71 = arith.constant 0 : i32
      %dma_wait3A_72 = tpu.memref_slice %arg3[%add3A, %run_scoped3A_29, %dma_wait3A, %dma_wait3A_71] : memref<32x2x106x64xi32, #tpu.memory_space<hbm>> -> memref<1x1x106x64xi32, #tpu.memory_space<hbm>>
      %dma_wait3A_73 = tpu.memref_squeeze %dma_wait3A_72 : memref<1x1x106x64xi32, #tpu.memory_space<hbm>> -> memref<106x64xi32, #tpu.memory_space<hbm>>
      %dma_wait3A_74 = arith.constant 0 : i32
      %dma_wait3A_75 = arith.constant 0 : i32
      %dma_wait3A_76 = tpu.memref_slice %arg3[%add3A, %run_scoped3A_29, %dma_wait3A_74, %dma_wait3A_75] : memref<32x2x106x64xi32, #tpu.memory_space<hbm>> -> memref<1x1x106x64xi32, #tpu.memory_space<hbm>>
      %dma_wait3A_77 = tpu.memref_squeeze %dma_wait3A_76 : memref<1x1x106x64xi32, #tpu.memory_space<hbm>> -> memref<106x64xi32, #tpu.memory_space<hbm>>
      tpu.wait_dma2 semaphore(%run_scoped3A_62 : memref<!tpu.dma_semaphore, #tpu.memory_space<semaphore_mem>>) src(%dma_wait3A_77 : memref<106x64xi32, #tpu.memory_space<hbm>>) dst(%arg7 : memref<106x64xi32, #tpu.memory_space<vmem>>)
      tpu.yield
    }) : () -> ()
    %run_scoped3A_30 = arith.constant 1 : i32
    "tpu.region"() ({
      %run_scoped3A_62 = tpu.sem_alloc : memref<!tpu.dma_semaphore, #tpu.memory_space<semaphore_mem>>
      %dma_start3A_63 = arith.constant 0 : i32
      %dma_start3A_64 = arith.constant 0 : i32
      %dma_start3A_65 = tpu.memref_slice %arg4[%add3A, %run_scoped3A_30, %dma_start3A_63, %dma_start3A_64] : memref<32x2x106x64xi32, #tpu.memory_space<hbm>> -> memref<1x1x106x64xi32, #tpu.memory_space<hbm>>
      %dma_start3A_66 = tpu.memref_squeeze %dma_start3A_65 : memref<1x1x106x64xi32, #tpu.memory_space<hbm>> -> memref<106x64xi32, #tpu.memory_space<hbm>>
      %dma_start3A_67 = arith.constant 0 : i32
      %dma_start3A_68 = arith.constant 0 : i32
      %dma_start3A_69 = tpu.memref_slice %arg4[%add3A, %run_scoped3A_30, %dma_start3A_67, %dma_start3A_68] : memref<32x2x106x64xi32, #tpu.memory_space<hbm>> -> memref<1x1x106x64xi32, #tpu.memory_space<hbm>>
      %dma_start3A_70 = tpu.memref_squeeze %dma_start3A_69 : memref<1x1x106x64xi32, #tpu.memory_space<hbm>> -> memref<106x64xi32, #tpu.memory_space<hbm>>
      tpu.enqueue_dma source(%dma_start3A_70 : memref<106x64xi32, #tpu.memory_space<hbm>>) target(%arg8 : memref<106x64xi32, #tpu.memory_space<vmem>>) target_semaphore(%run_scoped3A_62 : memref<!tpu.dma_semaphore, #tpu.memory_space<semaphore_mem>>)
      %dma_wait3A = arith.constant 0 : i32
      %dma_wait3A_71 = arith.constant 0 : i32
      %dma_wait3A_72 = tpu.memref_slice %arg4[%add3A, %run_scoped3A_30, %dma_wait3A, %dma_wait3A_71] : memref<32x2x106x64xi32, #tpu.memory_space<hbm>> -> memref<1x1x106x64xi32, #tpu.memory_space<hbm>>
      %dma_wait3A_73 = tpu.memref_squeeze %dma_wait3A_72 : memref<1x1x106x64xi32, #tpu.memory_space<hbm>> -> memref<106x64xi32, #tpu.memory_space<hbm>>
      %dma_wait3A_74 = arith.constant 0 : i32
      %dma_wait3A_75 = arith.constant 0 : i32
      %dma_wait3A_76 = tpu.memref_slice %arg4[%add3A, %run_scoped3A_30, %dma_wait3A_74, %dma_wait3A_75] : memref<32x2x106x64xi32, #tpu.memory_space<hbm>> -> memref<1x1x106x64xi32, #tpu.memory_space<hbm>>
      %dma_wait3A_77 = tpu.memref_squeeze %dma_wait3A_76 : memref<1x1x106x64xi32, #tpu.memory_space<hbm>> -> memref<106x64xi32, #tpu.memory_space<hbm>>
      tpu.wait_dma2 semaphore(%run_scoped3A_62 : memref<!tpu.dma_semaphore, #tpu.memory_space<semaphore_mem>>) src(%dma_wait3A_77 : memref<106x64xi32, #tpu.memory_space<hbm>>) dst(%arg8 : memref<106x64xi32, #tpu.memory_space<vmem>>)
      tpu.yield
    }) : () -> ()
    %rem3A_31 = arith.constant 0 : i32
    %rem3A_32 = arith.constant 2 : i32
    %rem3A_33 = arith.remsi %rem3A_31, %rem3A_32 : i32
    %mul3A_34 = arith.constant 64 : i32
    %mul3A_35 = arith.muli %rem3A_33, %mul3A_34 : i32
    %dma_start3A_36 = arith.constant 0 : i32
    %dma_start3A_37 = arith.constant 0 : i32
    %dma_start3A_38 = tpu.memref_slice %arg9[%mul3A_35, %dma_start3A_37] : memref<128x128xf32, #tpu.memory_space<vmem>> -> memref<64x128xf32, #tpu.memory_space<vmem>>
    %dma_start3A_39 = arith.constant 0 : i32
    %dma_start3A_40 = tpu.memref_slice %arg7[%dma_start3A_36, %dma_start3A_39] : memref<106x64xi32, #tpu.memory_space<vmem>> -> memref<1x64xi32, #tpu.memory_space<vmem>>
    %dma_start3A_41 = tpu.memref_squeeze %dma_start3A_40 : memref<1x64xi32, #tpu.memory_space<vmem>> -> memref<64xi32, #tpu.memory_space<vmem>>
    %dma_start3A_42 = arith.constant 0 : i32
    %dma_start3A_43 = arith.constant 0 : i32
    %dma_start3A_44 = tpu.memref_slice %arg2[%dma_start3A_42, %dma_start3A_43] : memref<10000x128xf32, #tpu.memory_space<hbm>> -> memref<10000x128xf32, #tpu.memory_space<hbm>>
    %dma_start3A_45 = tpu.memref_slice %arg11[%rem3A_33] : memref<2x!tpu.dma_semaphore, #tpu.memory_space<semaphore_mem>> -> memref<1x!tpu.dma_semaphore, #tpu.memory_space<semaphore_mem>>
    %dma_start3A_46 = tpu.memref_squeeze %dma_start3A_45 : memref<1x!tpu.dma_semaphore, #tpu.memory_space<semaphore_mem>> -> memref<!tpu.dma_semaphore, #tpu.memory_space<semaphore_mem>>
    tpu.enqueue_indirect_dma source(%dma_start3A_44 : memref<10000x128xf32, #tpu.memory_space<hbm>>) target(%dma_start3A_38 : memref<64x128xf32, #tpu.memory_space<vmem>>) offsets(%dma_start3A_41 : memref<64xi32, #tpu.memory_space<vmem>>) semaphore(%dma_start3A_46 : memref<!tpu.dma_semaphore, #tpu.memory_space<semaphore_mem>>)
    %while3A_47 = arith.constant 0 : i32
    %while3A_48 = arith.constant 0 : i32
    %while3A_49 = arith.subi %select_n3A, %while3A_48 : i32
    %while3A_50 = arith.addi %while3A_48, %while3A_49 : i32
    %while3A_51 = arith.constant 1 : i32
    %while3A_52 = arith.divsi %while3A_49, %while3A_51 : i32
    %while3A_53 = arith.muli %while3A_52, %while3A_51 : i32
    %while3A_54 = arith.addi %while3A_48, %while3A_53 : i32
    %while3A_55 = arith.constant 1 : i32
    scf.for %while3A_62 = %while3A_48 to %while3A_54 step %while3A_55  : i32 {
      %rem3A_63 = arith.constant 2 : i32
      %rem3A_64 = arith.remsi %while3A_62, %rem3A_63 : i32
      %add3A_65 = arith.constant 2 : i32
      %add3A_66 = arith.addi %while3A_62, %add3A_65 : i32
      %sub3A = arith.constant 1 : i32
      %sub3A_67 = arith.subi %add3A_66, %sub3A : i32
      %lt3A = arith.cmpi slt, %sub3A_67, %select_n3A : i32
      %convert_element_type3A = arith.extui %lt3A : i1 to i32
      %cond3A = arith.constant 0 : i32
      %cond3A_68 = arith.cmpi ne, %convert_element_type3A, %cond3A : i32
      scf.if %cond3A_68 {
        %add3A_82 = arith.constant 2 : i32
        %add3A_83 = arith.addi %while3A_62, %add3A_82 : i32
        %sub3A_84 = arith.constant 1 : i32
        %sub3A_85 = arith.subi %add3A_83, %sub3A_84 : i32
        %rem3A_86 = arith.constant 2 : i32
        %rem3A_87 = arith.remsi %sub3A_85, %rem3A_86 : i32
        %mul3A_88 = arith.constant 64 : i32
        %mul3A_89 = arith.muli %rem3A_87, %mul3A_88 : i32
        %dma_start3A_90 = arith.constant 0 : i32
        %dma_start3A_91 = tpu.memref_slice %arg9[%mul3A_89, %dma_start3A_90] : memref<128x128xf32, #tpu.memory_space<vmem>> -> memref<64x128xf32, #tpu.memory_space<vmem>>
        %dma_start3A_92 = arith.constant 0 : i32
        %dma_start3A_93 = tpu.memref_slice %arg7[%sub3A_85, %dma_start3A_92] : memref<106x64xi32, #tpu.memory_space<vmem>> -> memref<1x64xi32, #tpu.memory_space<vmem>>
        %dma_start3A_94 = tpu.memref_squeeze %dma_start3A_93 : memref<1x64xi32, #tpu.memory_space<vmem>> -> memref<64xi32, #tpu.memory_space<vmem>>
        %dma_start3A_95 = arith.constant 0 : i32
        %dma_start3A_96 = arith.constant 0 : i32
        %dma_start3A_97 = tpu.memref_slice %arg2[%dma_start3A_95, %dma_start3A_96] : memref<10000x128xf32, #tpu.memory_space<hbm>> -> memref<10000x128xf32, #tpu.memory_space<hbm>>
        %dma_start3A_98 = tpu.memref_slice %arg11[%rem3A_87] : memref<2x!tpu.dma_semaphore, #tpu.memory_space<semaphore_mem>> -> memref<1x!tpu.dma_semaphore, #tpu.memory_space<semaphore_mem>>
        %dma_start3A_99 = tpu.memref_squeeze %dma_start3A_98 : memref<1x!tpu.dma_semaphore, #tpu.memory_space<semaphore_mem>> -> memref<!tpu.dma_semaphore, #tpu.memory_space<semaphore_mem>>
        tpu.enqueue_indirect_dma source(%dma_start3A_97 : memref<10000x128xf32, #tpu.memory_space<hbm>>) target(%dma_start3A_91 : memref<64x128xf32, #tpu.memory_space<vmem>>) offsets(%dma_start3A_94 : memref<64xi32, #tpu.memory_space<vmem>>) semaphore(%dma_start3A_99 : memref<!tpu.dma_semaphore, #tpu.memory_space<semaphore_mem>>)
      } else {
      }
      %mul3A_69 = arith.constant 64 : i32
      %mul3A_70 = arith.muli %rem3A_64, %mul3A_69 : i32
      %dma_wait3A = arith.constant 0 : i32
      %dma_wait3A_71 = tpu.memref_slice %arg9[%mul3A_70, %dma_wait3A] : memref<128x128xf32, #tpu.memory_space<vmem>> -> memref<64x128xf32, #tpu.memory_space<vmem>>
      %dma_wait3A_72 = arith.constant 0 : i32
      %dma_wait3A_73 = tpu.memref_slice %arg7[%while3A_62, %dma_wait3A_72] : memref<106x64xi32, #tpu.memory_space<vmem>> -> memref<1x64xi32, #tpu.memory_space<vmem>>
      %dma_wait3A_74 = tpu.memref_squeeze %dma_wait3A_73 : memref<1x64xi32, #tpu.memory_space<vmem>> -> memref<64xi32, #tpu.memory_space<vmem>>
      %dma_wait3A_75 = arith.constant 0 : i32
      %dma_wait3A_76 = arith.constant 0 : i32
      %dma_wait3A_77 = tpu.memref_slice %arg2[%dma_wait3A_75, %dma_wait3A_76] : memref<10000x128xf32, #tpu.memory_space<hbm>> -> memref<10000x128xf32, #tpu.memory_space<hbm>>
      %dma_wait3A_78 = tpu.memref_slice %arg11[%rem3A_64] : memref<2x!tpu.dma_semaphore, #tpu.memory_space<semaphore_mem>> -> memref<1x!tpu.dma_semaphore, #tpu.memory_space<semaphore_mem>>
      %dma_wait3A_79 = tpu.memref_squeeze %dma_wait3A_78 : memref<1x!tpu.dma_semaphore, #tpu.memory_space<semaphore_mem>> -> memref<!tpu.dma_semaphore, #tpu.memory_space<semaphore_mem>>
      tpu.wait_indirect_dma semaphore(%dma_wait3A_79 : memref<!tpu.dma_semaphore, #tpu.memory_space<semaphore_mem>>) src(%dma_wait3A_77 : memref<10000x128xf32, #tpu.memory_space<hbm>>) dst(%dma_wait3A_71 : memref<64x128xf32, #tpu.memory_space<vmem>>)
      %mul3A_80 = arith.constant 64 : i32
      %mul3A_81 = arith.muli %rem3A_64, %mul3A_80 : i32
      "tpu.region"() ({
        %run_scoped3A_82 = tpu.sem_alloc : memref<!tpu.dma_semaphore, #tpu.memory_space<semaphore_mem>>
        %dma_start3A_83 = arith.constant 0 : i32
        %dma_start3A_84 = tpu.memref_slice %arg9[%mul3A_81, %dma_start3A_83] : memref<128x128xf32, #tpu.memory_space<vmem>> -> memref<64x128xf32, #tpu.memory_space<vmem>>
        %dma_start3A_85 = arith.constant 0 : i32
        %dma_start3A_86 = tpu.memref_slice %arg8[%while3A_62, %dma_start3A_85] : memref<106x64xi32, #tpu.memory_space<vmem>> -> memref<1x64xi32, #tpu.memory_space<vmem>>
        %dma_start3A_87 = tpu.memref_squeeze %dma_start3A_86 : memref<1x64xi32, #tpu.memory_space<vmem>> -> memref<64xi32, #tpu.memory_space<vmem>>
        %dma_start3A_88 = arith.constant 0 : i32
        %dma_start3A_89 = arith.constant 0 : i32
        %dma_start3A_90 = tpu.memref_slice %arg10[%dma_start3A_88, %dma_start3A_89] : memref<10112x128xf32, #tpu.memory_space<vmem_shared>> -> memref<10112x128xf32, #tpu.memory_space<vmem_shared>>
        tpu.enqueue_indirect_dma source(%dma_start3A_84 : memref<64x128xf32, #tpu.memory_space<vmem>>) target(%dma_start3A_90 : memref<10112x128xf32, #tpu.memory_space<vmem_shared>>) offsets(%dma_start3A_87 : memref<64xi32, #tpu.memory_space<vmem>>) semaphore(%run_scoped3A_82 : memref<!tpu.dma_semaphore, #tpu.memory_space<semaphore_mem>>) {add = true}
        %dma_wait3A_91 = arith.constant 0 : i32
        %dma_wait3A_92 = tpu.memref_slice %arg9[%mul3A_81, %dma_wait3A_91] : memref<128x128xf32, #tpu.memory_space<vmem>> -> memref<64x128xf32, #tpu.memory_space<vmem>>
        %dma_wait3A_93 = arith.constant 0 : i32
        %dma_wait3A_94 = tpu.memref_slice %arg8[%while3A_62, %dma_wait3A_93] : memref<106x64xi32, #tpu.memory_space<vmem>> -> memref<1x64xi32, #tpu.memory_space<vmem>>
        %dma_wait3A_95 = tpu.memref_squeeze %dma_wait3A_94 : memref<1x64xi32, #tpu.memory_space<vmem>> -> memref<64xi32, #tpu.memory_space<vmem>>
        %dma_wait3A_96 = arith.constant 0 : i32
        %dma_wait3A_97 = arith.constant 0 : i32
        %dma_wait3A_98 = tpu.memref_slice %arg10[%dma_wait3A_96, %dma_wait3A_97] : memref<10112x128xf32, #tpu.memory_space<vmem_shared>> -> memref<10112x128xf32, #tpu.memory_space<vmem_shared>>
        tpu.wait_indirect_dma semaphore(%run_scoped3A_82 : memref<!tpu.dma_semaphore, #tpu.memory_space<semaphore_mem>>) src(%dma_wait3A_92 : memref<64x128xf32, #tpu.memory_space<vmem>>) dst(%dma_wait3A_98 : memref<10112x128xf32, #tpu.memory_space<vmem_shared>>)
        tpu.yield
      }) : () -> ()
    }
    %while3A_56 = arith.constant 1 : i32
    scf.for %while3A_62 = %while3A_54 to %while3A_50 step %while3A_56  : i32 {
      %rem3A_63 = arith.constant 2 : i32
      %rem3A_64 = arith.remsi %while3A_62, %rem3A_63 : i32
      %add3A_65 = arith.constant 2 : i32
      %add3A_66 = arith.addi %while3A_62, %add3A_65 : i32
      %sub3A = arith.constant 1 : i32
      %sub3A_67 = arith.subi %add3A_66, %sub3A : i32
      %lt3A = arith.cmpi slt, %sub3A_67, %select_n3A : i32
      %convert_element_type3A = arith.extui %lt3A : i1 to i32
      %cond3A = arith.constant 0 : i32
      %cond3A_68 = arith.cmpi ne, %convert_element_type3A, %cond3A : i32
      scf.if %cond3A_68 {
        %add3A_82 = arith.constant 2 : i32
        %add3A_83 = arith.addi %while3A_62, %add3A_82 : i32
        %sub3A_84 = arith.constant 1 : i32
        %sub3A_85 = arith.subi %add3A_83, %sub3A_84 : i32
        %rem3A_86 = arith.constant 2 : i32
        %rem3A_87 = arith.remsi %sub3A_85, %rem3A_86 : i32
        %mul3A_88 = arith.constant 64 : i32
        %mul3A_89 = arith.muli %rem3A_87, %mul3A_88 : i32
        %dma_start3A_90 = arith.constant 0 : i32
        %dma_start3A_91 = tpu.memref_slice %arg9[%mul3A_89, %dma_start3A_90] : memref<128x128xf32, #tpu.memory_space<vmem>> -> memref<64x128xf32, #tpu.memory_space<vmem>>
        %dma_start3A_92 = arith.constant 0 : i32
        %dma_start3A_93 = tpu.memref_slice %arg7[%sub3A_85, %dma_start3A_92] : memref<106x64xi32, #tpu.memory_space<vmem>> -> memref<1x64xi32, #tpu.memory_space<vmem>>
        %dma_start3A_94 = tpu.memref_squeeze %dma_start3A_93 : memref<1x64xi32, #tpu.memory_space<vmem>> -> memref<64xi32, #tpu.memory_space<vmem>>
        %dma_start3A_95 = arith.constant 0 : i32
        %dma_start3A_96 = arith.constant 0 : i32
        %dma_start3A_97 = tpu.memref_slice %arg2[%dma_start3A_95, %dma_start3A_96] : memref<10000x128xf32, #tpu.memory_space<hbm>> -> memref<10000x128xf32, #tpu.memory_space<hbm>>
        %dma_start3A_98 = tpu.memref_slice %arg11[%rem3A_87] : memref<2x!tpu.dma_semaphore, #tpu.memory_space<semaphore_mem>> -> memref<1x!tpu.dma_semaphore, #tpu.memory_space<semaphore_mem>>
        %dma_start3A_99 = tpu.memref_squeeze %dma_start3A_98 : memref<1x!tpu.dma_semaphore, #tpu.memory_space<semaphore_mem>> -> memref<!tpu.dma_semaphore, #tpu.memory_space<semaphore_mem>>
        tpu.enqueue_indirect_dma source(%dma_start3A_97 : memref<10000x128xf32, #tpu.memory_space<hbm>>) target(%dma_start3A_91 : memref<64x128xf32, #tpu.memory_space<vmem>>) offsets(%dma_start3A_94 : memref<64xi32, #tpu.memory_space<vmem>>) semaphore(%dma_start3A_99 : memref<!tpu.dma_semaphore, #tpu.memory_space<semaphore_mem>>)
      } else {
      }
      %mul3A_69 = arith.constant 64 : i32
      %mul3A_70 = arith.muli %rem3A_64, %mul3A_69 : i32
      %dma_wait3A = arith.constant 0 : i32
      %dma_wait3A_71 = tpu.memref_slice %arg9[%mul3A_70, %dma_wait3A] : memref<128x128xf32, #tpu.memory_space<vmem>> -> memref<64x128xf32, #tpu.memory_space<vmem>>
      %dma_wait3A_72 = arith.constant 0 : i32
      %dma_wait3A_73 = tpu.memref_slice %arg7[%while3A_62, %dma_wait3A_72] : memref<106x64xi32, #tpu.memory_space<vmem>> -> memref<1x64xi32, #tpu.memory_space<vmem>>
      %dma_wait3A_74 = tpu.memref_squeeze %dma_wait3A_73 : memref<1x64xi32, #tpu.memory_space<vmem>> -> memref<64xi32, #tpu.memory_space<vmem>>
      %dma_wait3A_75 = arith.constant 0 : i32
      %dma_wait3A_76 = arith.constant 0 : i32
      %dma_wait3A_77 = tpu.memref_slice %arg2[%dma_wait3A_75, %dma_wait3A_76] : memref<10000x128xf32, #tpu.memory_space<hbm>> -> memref<10000x128xf32, #tpu.memory_space<hbm>>
      %dma_wait3A_78 = tpu.memref_slice %arg11[%rem3A_64] : memref<2x!tpu.dma_semaphore, #tpu.memory_space<semaphore_mem>> -> memref<1x!tpu.dma_semaphore, #tpu.memory_space<semaphore_mem>>
      %dma_wait3A_79 = tpu.memref_squeeze %dma_wait3A_78 : memref<1x!tpu.dma_semaphore, #tpu.memory_space<semaphore_mem>> -> memref<!tpu.dma_semaphore, #tpu.memory_space<semaphore_mem>>
      tpu.wait_indirect_dma semaphore(%dma_wait3A_79 : memref<!tpu.dma_semaphore, #tpu.memory_space<semaphore_mem>>) src(%dma_wait3A_77 : memref<10000x128xf32, #tpu.memory_space<hbm>>) dst(%dma_wait3A_71 : memref<64x128xf32, #tpu.memory_space<vmem>>)
      %mul3A_80 = arith.constant 64 : i32
      %mul3A_81 = arith.muli %rem3A_64, %mul3A_80 : i32
      "tpu.region"() ({
        %run_scoped3A_82 = tpu.sem_alloc : memref<!tpu.dma_semaphore, #tpu.memory_space<semaphore_mem>>
        %dma_start3A_83 = arith.constant 0 : i32
        %dma_start3A_84 = tpu.memref_slice %arg9[%mul3A_81, %dma_start3A_83] : memref<128x128xf32, #tpu.memory_space<vmem>> -> memref<64x128xf32, #tpu.memory_space<vmem>>
        %dma_start3A_85 = arith.constant 0 : i32
        %dma_start3A_86 = tpu.memref_slice %arg8[%while3A_62, %dma_start3A_85] : memref<106x64xi32, #tpu.memory_space<vmem>> -> memref<1x64xi32, #tpu.memory_space<vmem>>
        %dma_start3A_87 = tpu.memref_squeeze %dma_start3A_86 : memref<1x64xi32, #tpu.memory_space<vmem>> -> memref<64xi32, #tpu.memory_space<vmem>>
        %dma_start3A_88 = arith.constant 0 : i32
        %dma_start3A_89 = arith.constant 0 : i32
        %dma_start3A_90 = tpu.memref_slice %arg10[%dma_start3A_88, %dma_start3A_89] : memref<10112x128xf32, #tpu.memory_space<vmem_shared>> -> memref<10112x128xf32, #tpu.memory_space<vmem_shared>>
        tpu.enqueue_indirect_dma source(%dma_start3A_84 : memref<64x128xf32, #tpu.memory_space<vmem>>) target(%dma_start3A_90 : memref<10112x128xf32, #tpu.memory_space<vmem_shared>>) offsets(%dma_start3A_87 : memref<64xi32, #tpu.memory_space<vmem>>) semaphore(%run_scoped3A_82 : memref<!tpu.dma_semaphore, #tpu.memory_space<semaphore_mem>>) {add = true}
        %dma_wait3A_91 = arith.constant 0 : i32
        %dma_wait3A_92 = tpu.memref_slice %arg9[%mul3A_81, %dma_wait3A_91] : memref<128x128xf32, #tpu.memory_space<vmem>> -> memref<64x128xf32, #tpu.memory_space<vmem>>
        %dma_wait3A_93 = arith.constant 0 : i32
        %dma_wait3A_94 = tpu.memref_slice %arg8[%while3A_62, %dma_wait3A_93] : memref<106x64xi32, #tpu.memory_space<vmem>> -> memref<1x64xi32, #tpu.memory_space<vmem>>
        %dma_wait3A_95 = tpu.memref_squeeze %dma_wait3A_94 : memref<1x64xi32, #tpu.memory_space<vmem>> -> memref<64xi32, #tpu.memory_space<vmem>>
        %dma_wait3A_96 = arith.constant 0 : i32
        %dma_wait3A_97 = arith.constant 0 : i32
        %dma_wait3A_98 = tpu.memref_slice %arg10[%dma_wait3A_96, %dma_wait3A_97] : memref<10112x128xf32, #tpu.memory_space<vmem_shared>> -> memref<10112x128xf32, #tpu.memory_space<vmem_shared>>
        tpu.wait_indirect_dma semaphore(%run_scoped3A_82 : memref<!tpu.dma_semaphore, #tpu.memory_space<semaphore_mem>>) src(%dma_wait3A_92 : memref<64x128xf32, #tpu.memory_space<vmem>>) dst(%dma_wait3A_98 : memref<10112x128xf32, #tpu.memory_space<vmem_shared>>)
        tpu.yield
      }) : () -> ()
    }
    %barrier3A_57 = arith.constant 0 : index
    tpu.barrier barrier_id(%barrier3A_57)
    %mul3A_58 = arith.constant 632 : i32
    %mul3A_59 = arith.muli %arg1, %mul3A_58 : i32
    %mul3A_60 = arith.constant 632 : i32
    %mul3A_61 = arith.muli %arg1, %mul3A_60 : i32
    "tpu.region"() ({
      %run_scoped3A_62 = tpu.sem_alloc : memref<!tpu.dma_semaphore, #tpu.memory_space<semaphore_mem>>
      %dma_start3A_63 = arith.constant 0 : i32
      %dma_start3A_64 = tpu.memref_slice %arg6[%arg0, %mul3A_61, %dma_start3A_63] : memref<2x10112x128xf32, #tpu.memory_space<hbm>> -> memref<1x632x128xf32, #tpu.memory_space<hbm>>
      %dma_start3A_65 = tpu.memref_squeeze %dma_start3A_64 : memref<1x632x128xf32, #tpu.memory_space<hbm>> -> memref<632x128xf32, #tpu.memory_space<hbm>>
      %dma_start3A_66 = arith.constant 0 : i32
      %dma_start3A_67 = tpu.memref_slice %arg10[%mul3A_59, %dma_start3A_66] : memref<10112x128xf32, #tpu.memory_space<vmem_shared>> -> memref<632x128xf32, #tpu.memory_space<vmem_shared>>
      tpu.enqueue_dma source(%dma_start3A_67 : memref<632x128xf32, #tpu.memory_space<vmem_shared>>) target(%dma_start3A_65 : memref<632x128xf32, #tpu.memory_space<hbm>>) target_semaphore(%run_scoped3A_62 : memref<!tpu.dma_semaphore, #tpu.memory_space<semaphore_mem>>)
      %dma_wait3A = arith.constant 0 : i32
      %dma_wait3A_68 = tpu.memref_slice %arg6[%arg0, %mul3A_61, %dma_wait3A] : memref<2x10112x128xf32, #tpu.memory_space<hbm>> -> memref<1x632x128xf32, #tpu.memory_space<hbm>>
      %dma_wait3A_69 = tpu.memref_squeeze %dma_wait3A_68 : memref<1x632x128xf32, #tpu.memory_space<hbm>> -> memref<632x128xf32, #tpu.memory_space<hbm>>
      %dma_wait3A_70 = arith.constant 0 : i32
      %dma_wait3A_71 = tpu.memref_slice %arg10[%mul3A_59, %dma_wait3A_70] : memref<10112x128xf32, #tpu.memory_space<vmem_shared>> -> memref<632x128xf32, #tpu.memory_space<vmem_shared>>
      tpu.wait_dma2 semaphore(%run_scoped3A_62 : memref<!tpu.dma_semaphore, #tpu.memory_space<semaphore_mem>>) src(%dma_wait3A_71 : memref<632x128xf32, #tpu.memory_space<vmem_shared>>) dst(%dma_wait3A_69 : memref<632x128xf32, #tpu.memory_space<hbm>>)
      tpu.yield
    }) : () -> ()
    return
  }
}

module attributes {stable_mosaic.version = 14 : i64} {
  func.func @body(%arg0: memref<10112x32xf32, #tpu.memory_space<vmem>>, %arg1: memref<10000x128xf32, #tpu.memory_space<vmem>>, %arg2: memref<128x128xf32, #tpu.memory_space<vmem>>, %arg3: memref<10000x128xf32, #tpu.memory_space<vmem>>) attributes {dimension_semantics = [], scalar_prefetch = 0 : i64, scratch_operands = 0 : i64, tpu.core_type = #tpu.core_type<tc>} {
    %get3A = arith.constant 0 : index
    %get3A_0 = arith.constant 0 : index
    %get3A_1 = vector.load %arg0[%get3A, %get3A_0] : memref<10112x32xf32, #tpu.memory_space<vmem>>, vector<10112x32xf32>
    %reduce_sum3A = arith.constant dense<0.000000e+00> : vector<10112xf32>
    %reduce_sum3A_2 = vector.multi_reduction <add>, %get3A_1, %reduce_sum3A [1] : vector<10112x32xf32> to vector<10112xf32>
    %broadcast_in_dim3A = vector.shape_cast %reduce_sum3A_2 : vector<10112xf32> to vector<10112x1xf32>
    %add3A = arith.constant 1.000000e+00 : f32
    %add3A_3 = vector.broadcast %add3A : f32 to vector<10112x1xf32>
    %add3A_4 = arith.addf %broadcast_in_dim3A, %add3A_3 : vector<10112x1xf32>
    %rsqrt3A = math.rsqrt %add3A_4 : vector<10112x1xf32>
    %slice3A = vector.extract_strided_slice %rsqrt3A {offsets = [0, 0], sizes = [10000, 1], strides = [1, 1]} : vector<10112x1xf32> to vector<10000x1xf32>
    %get3A_5 = arith.constant 0 : index
    %get3A_6 = arith.constant 0 : index
    %get3A_7 = vector.load %arg1[%get3A_5, %get3A_6] : memref<10000x128xf32, #tpu.memory_space<vmem>>, vector<10000x128xf32>
    %get3A_8 = arith.constant 0 : index
    %get3A_9 = arith.constant 0 : index
    %get3A_10 = vector.load %arg2[%get3A_8, %get3A_9] : memref<128x128xf32, #tpu.memory_space<vmem>>, vector<128x128xf32>
    %dot_general3A = arith.constant dense<0.000000e+00> : vector<10000x128xf32>
    %dot_general3A_11 = tpu.matmul %get3A_7, %get3A_10, %dot_general3A {dimension_numbers = #tpu.dot_dimension_numbers<[1], [0], [0], [1], [0, 0, 1, 1], [], []>, precision = #tpu.contract_precision<fp32>, transpose_lhs_hint = false} : vector<10000x128xf32>, vector<128x128xf32>, vector<10000x128xf32> -> vector<10000x128xf32>
    %mul3A = vector.broadcast %slice3A : vector<10000x1xf32> to vector<10000x128xf32>
    %mul3A_12 = arith.mulf %mul3A, %dot_general3A_11 : vector<10000x128xf32>
    %swap3A = arith.constant 0 : index
    %swap3A_13 = arith.constant 0 : index
    %swap3A_14 = vector.load %arg3[%swap3A, %swap3A_13] : memref<10000x128xf32, #tpu.memory_space<vmem>>, vector<10000x128xf32>
    tpu.vector_store %arg3[%swap3A, %swap3A_13], %mul3A_12 {strides = array<i32>} : memref<10000x128xf32, #tpu.memory_space<vmem>>, vector<10000x128xf32>,
    return
  }
}

module attributes {stable_mosaic.version = 14 : i64} {
  func.func @body(%arg0: memref<10112x32xf32, #tpu.memory_space<vmem>>, %arg1: memref<2x10112x128xf32, #tpu.memory_space<vmem>>, %arg2: memref<10000x128xf32, #tpu.memory_space<vmem>>, %arg3: memref<1x128xf32, #tpu.memory_space<vmem>>, %arg4: memref<10000x128xf32, #tpu.memory_space<vmem>>) attributes {dimension_semantics = [], scalar_prefetch = 0 : i64, scratch_operands = 0 : i64, tpu.core_type = #tpu.core_type<tc>} {
    %get3A = arith.constant 0 : index
    %get3A_0 = arith.constant 0 : index
    %get3A_1 = vector.load %arg0[%get3A, %get3A_0] : memref<10112x32xf32, #tpu.memory_space<vmem>>, vector<10112x32xf32>
    %reduce_sum3A = arith.constant dense<0.000000e+00> : vector<10112xf32>
    %reduce_sum3A_2 = vector.multi_reduction <add>, %get3A_1, %reduce_sum3A [1] : vector<10112x32xf32> to vector<10112xf32>
    %broadcast_in_dim3A = vector.shape_cast %reduce_sum3A_2 : vector<10112xf32> to vector<10112x1xf32>
    %add3A = arith.constant 1.000000e+00 : f32
    %add3A_3 = vector.broadcast %add3A : f32 to vector<10112x1xf32>
    %add3A_4 = arith.addf %broadcast_in_dim3A, %add3A_3 : vector<10112x1xf32>
    %rsqrt3A = math.rsqrt %add3A_4 : vector<10112x1xf32>
    %slice3A = vector.extract_strided_slice %rsqrt3A {offsets = [0, 0], sizes = [10000, 1], strides = [1, 1]} : vector<10112x1xf32> to vector<10000x1xf32>
    %get3A_5 = arith.constant 0 : index
    %get3A_6 = arith.constant 0 : index
    %get3A_7 = arith.constant 0 : index
    %get3A_8 = vector.load %arg1[%get3A_5, %get3A_6, %get3A_7] : memref<2x10112x128xf32, #tpu.memory_space<vmem>>, vector<1x10000x128xf32>
    %get3A_9 = vector.shape_cast %get3A_8 : vector<1x10000x128xf32> to vector<10000x128xf32>
    %get3A_10 = arith.constant 1 : index
    %get3A_11 = arith.constant 0 : index
    %get3A_12 = arith.constant 0 : index
    %get3A_13 = vector.load %arg1[%get3A_10, %get3A_11, %get3A_12] : memref<2x10112x128xf32, #tpu.memory_space<vmem>>, vector<1x10000x128xf32>
    %get3A_14 = vector.shape_cast %get3A_13 : vector<1x10000x128xf32> to vector<10000x128xf32>
    %add3A_15 = arith.addf %get3A_9, %get3A_14 : vector<10000x128xf32>
    %get3A_16 = arith.constant 0 : index
    %get3A_17 = arith.constant 0 : index
    %get3A_18 = vector.load %arg2[%get3A_16, %get3A_17] : memref<10000x128xf32, #tpu.memory_space<vmem>>, vector<10000x128xf32>
    %add3A_19 = arith.addf %add3A_15, %get3A_18 : vector<10000x128xf32>
    %mul3A = vector.broadcast %slice3A : vector<10000x1xf32> to vector<10000x128xf32>
    %mul3A_20 = arith.mulf %mul3A, %add3A_19 : vector<10000x128xf32>
    %get3A_21 = arith.constant 0 : index
    %get3A_22 = arith.constant 0 : index
    %get3A_23 = vector.load %arg3[%get3A_21, %get3A_22] : memref<1x128xf32, #tpu.memory_space<vmem>>, vector<1x128xf32>
    %add3A_24 = vector.broadcast %get3A_23 : vector<1x128xf32> to vector<10000x128xf32>
    %add3A_25 = arith.addf %mul3A_20, %add3A_24 : vector<10000x128xf32>
    %max3A = arith.constant 0.000000e+00 : f32
    %max3A_26 = vector.broadcast %max3A : f32 to vector<10000x128xf32>
    %max3A_27 = arith.maximumf %add3A_25, %max3A_26 : vector<10000x128xf32>
    %mul3A_28 = vector.broadcast %slice3A : vector<10000x1xf32> to vector<10000x128xf32>
    %mul3A_29 = arith.mulf %mul3A_28, %max3A_27 : vector<10000x128xf32>
    %swap3A = arith.constant 0 : index
    %swap3A_30 = arith.constant 0 : index
    %swap3A_31 = vector.load %arg4[%swap3A, %swap3A_30] : memref<10000x128xf32, #tpu.memory_space<vmem>>, vector<10000x128xf32>
    tpu.vector_store %arg4[%swap3A, %swap3A_30], %mul3A_29 {strides = array<i32>} : memref<10000x128xf32, #tpu.memory_space<vmem>>, vector<10000x128xf32>,
    return
  }
}

module attributes {stable_mosaic.version = 14 : i64} {
  func.func @body(%arg0: memref<10112x32xf32, #tpu.memory_space<vmem>>, %arg1: memref<2x10112x128xf32, #tpu.memory_space<vmem>>, %arg2: memref<10000x128xf32, #tpu.memory_space<vmem>>, %arg3: memref<128x40xf32, #tpu.memory_space<vmem>>, %arg4: memref<1x40xf32, #tpu.memory_space<vmem>>, %arg5: memref<10000x40xf32, #tpu.memory_space<vmem>>) attributes {dimension_semantics = [], scalar_prefetch = 0 : i64, scratch_operands = 0 : i64, tpu.core_type = #tpu.core_type<tc>} {
    %get3A = arith.constant 0 : index
    %get3A_0 = arith.constant 0 : index
    %get3A_1 = vector.load %arg0[%get3A, %get3A_0] : memref<10112x32xf32, #tpu.memory_space<vmem>>, vector<10112x32xf32>
    %reduce_sum3A = arith.constant dense<0.000000e+00> : vector<10112xf32>
    %reduce_sum3A_2 = vector.multi_reduction <add>, %get3A_1, %reduce_sum3A [1] : vector<10112x32xf32> to vector<10112xf32>
    %broadcast_in_dim3A = vector.shape_cast %reduce_sum3A_2 : vector<10112xf32> to vector<10112x1xf32>
    %add3A = arith.constant 1.000000e+00 : f32
    %add3A_3 = vector.broadcast %add3A : f32 to vector<10112x1xf32>
    %add3A_4 = arith.addf %broadcast_in_dim3A, %add3A_3 : vector<10112x1xf32>
    %rsqrt3A = math.rsqrt %add3A_4 : vector<10112x1xf32>
    %slice3A = vector.extract_strided_slice %rsqrt3A {offsets = [0, 0], sizes = [10000, 1], strides = [1, 1]} : vector<10112x1xf32> to vector<10000x1xf32>
    %get3A_5 = arith.constant 0 : index
    %get3A_6 = arith.constant 0 : index
    %get3A_7 = arith.constant 0 : index
    %get3A_8 = vector.load %arg1[%get3A_5, %get3A_6, %get3A_7] : memref<2x10112x128xf32, #tpu.memory_space<vmem>>, vector<1x10000x128xf32>
    %get3A_9 = vector.shape_cast %get3A_8 : vector<1x10000x128xf32> to vector<10000x128xf32>
    %get3A_10 = arith.constant 1 : index
    %get3A_11 = arith.constant 0 : index
    %get3A_12 = arith.constant 0 : index
    %get3A_13 = vector.load %arg1[%get3A_10, %get3A_11, %get3A_12] : memref<2x10112x128xf32, #tpu.memory_space<vmem>>, vector<1x10000x128xf32>
    %get3A_14 = vector.shape_cast %get3A_13 : vector<1x10000x128xf32> to vector<10000x128xf32>
    %add3A_15 = arith.addf %get3A_9, %get3A_14 : vector<10000x128xf32>
    %get3A_16 = arith.constant 0 : index
    %get3A_17 = arith.constant 0 : index
    %get3A_18 = vector.load %arg2[%get3A_16, %get3A_17] : memref<10000x128xf32, #tpu.memory_space<vmem>>, vector<10000x128xf32>
    %add3A_19 = arith.addf %add3A_15, %get3A_18 : vector<10000x128xf32>
    %mul3A = vector.broadcast %slice3A : vector<10000x1xf32> to vector<10000x128xf32>
    %mul3A_20 = arith.mulf %mul3A, %add3A_19 : vector<10000x128xf32>
    %get3A_21 = arith.constant 0 : index
    %get3A_22 = arith.constant 0 : index
    %get3A_23 = vector.load %arg3[%get3A_21, %get3A_22] : memref<128x40xf32, #tpu.memory_space<vmem>>, vector<128x40xf32>
    %dot_general3A = arith.constant dense<0.000000e+00> : vector<10000x40xf32>
    %dot_general3A_24 = tpu.matmul %mul3A_20, %get3A_23, %dot_general3A {dimension_numbers = #tpu.dot_dimension_numbers<[1], [0], [0], [1], [0, 0, 1, 1], [], []>, precision = #tpu.contract_precision<fp32>, transpose_lhs_hint = false} : vector<10000x128xf32>, vector<128x40xf32>, vector<10000x40xf32> -> vector<10000x40xf32>
    %get3A_25 = arith.constant 0 : index
    %get3A_26 = arith.constant 0 : index
    %get3A_27 = vector.load %arg4[%get3A_25, %get3A_26] : memref<1x40xf32, #tpu.memory_space<vmem>>, vector<1x40xf32>
    %add3A_28 = vector.broadcast %get3A_27 : vector<1x40xf32> to vector<10000x40xf32>
    %add3A_29 = arith.addf %dot_general3A_24, %add3A_28 : vector<10000x40xf32>
    %swap3A = arith.constant 0 : index
    %swap3A_30 = arith.constant 0 : index
    %swap3A_31 = vector.load %arg5[%swap3A, %swap3A_30] : memref<10000x40xf32, #tpu.memory_space<vmem>>, vector<10000x40xf32>
    tpu.vector_store %arg5[%swap3A, %swap3A_30], %add3A_29 {strides = array<i32>} : memref<10000x40xf32, #tpu.memory_space<vmem>>, vector<10000x40xf32>,
    return
  }
}

</mosaic_0001>

<sc_bundles>
// kernel: kernel.11.cloned.1.call-start
scs
__scs_entry_jumppad:
0x0: {  	(pc) =	sbr.rel $0x88, $3  }
0x1: {  	(tag) =	ssettag $0x0;
	lr =	simm.s32 $0x1  }
0x2: {  	[smem:$0x3F9B] =	sst lr;
	_ =	strace $0xD0000000  }
0x3: {  	_ = 	snop  }
0x4: {  	_ = 	snop  }
0x5: {  	_ = 	snop  }
0x6: {  	_ = 	snop  }
0x7: {  	_ = 	snop  }
__scs_overlays_trampoline_lowered:
0x8: {  	[smem:$0x3FAA] =	sst s0  }
0x9: {  	[smem:$0x3FAB] =	sst s1  }
0xa: {  	[smem:$0x3FAC] =	sst s2  }
0xb: {  	[smem:$0x3FAD] =	sst s3  }
0xc: {  	[smem:$0x3FAE] =	sst s4  }
0xd: {  	[smem:$0x3FAF] =	sst s5  }
0xe: {  	[smem:$0x3FB0] =	sst s6  }
0xf: {  	[smem:$0x3FB1] =	sst s7  }
0x10: {  	[smem:$0x3FB2] =	sst s8  }
0x11: {  	[smem:$0x3FB3] =	sst s9;
	s0 =	simm.s32 @!p0 $0x0  }
0x12: {  	s1 =	sld [smem:$0x3F99];
	s0 =	simm.s32 @p0 $0x1  }
0x13: {  	[smem:$0x3FB4] =	sst s0;
	s0 =	simm.s32 @!p1 $0x0  }
0x14: {  	s2 =	sld [smem:$0x3F98];
	s0 =	simm.s32 @p1 $0x1  }
0x15: {  	[smem:$0x3FB5] =	sst s0;
	s0 =	simm.s32 @!p2 $0x0  }
0x16: {  	s3 =	sld [smem:$0x3FDB];
	s0 =	simm.s32 @p2 $0x1  }
0x17: {  	s4 =	simm.s32 $0x1BF5;
	[smem:$0x3FB7] =	sst s0  }
0x18: {  	s0 =	sld [smem:$0x3F9A];
	_ =	swait.ge [sflag:s4], $0x0  }
0x19: {  	s7 =	sld [smem:$0x3F9B]  }
0x1a: {  	s8 =	sadd.s32 $0xFFFFE003, lr  }
0x1b: {  	s9 =	sadd.s32 $0xFFFFFEF7, lr;
	s5 =	simm.s32 $0xFFFFFFFF;
	p2 =	slt.u32 s8, $0xFFFFF086  }
0x1c: {  	p1 =	slt.u32 s9, $0xF7A;
	s5 =	simm.s32 @!p2 $0x0  }
0x1d: {  	s5 =	simm.s32 @p1 $0x1;
	p0 =	seq.s32 s7, s2  }
0x1e: {  	s7 =	smul.u32 @!p0 $0xF7A, s2;
	p2 =	seq.s32 @!p0 s5, $0x0  }
0x1f: {  	s9 =	smul.u32 $0xF7A, s1;
	s8 =	simm.s32 @!p0 $0x1BF5;
	p2 =	por !p2, p0  }
0x20: {  	[sflag:s8] =	ssyncset.s32 @!p0 $0xFFFFF086;
	s6 =	sadd.s32 @!p0 s3, s7;
	s7 =	simm.s32 @!p0 $0x108  }
0x21: {  	s3 =	sadd.s32 s3, s9;
	s6 =	sadd.s32 @!p0 $0x88, s6;
	s7 =	simm.s32 @p2 $0x1082  }
0x22: {  	[simem:s7], [sflag:s8] =	dma.local @!p0 [hbm:s6], $0xF7A  }
0x23: {  	s9 =	sor.u32 $0xD0000000, s2;
	s6 =	simm.s32 $0x108;
	_ =	swait.ge @!p0 [sflag:s8], $0x0  }
0x24: {  	s3 =	sadd.s32 $0x88, s3;
	s6 =	simm.s32 @!p1 $0x1082;
	[sflag:s4] =	ssyncset.s32 $0xFFFFF086  }
0x25: {  	[simem:s6], [sflag:s4] =	dma.local [hbm:s3], $0xF7A  }
0x26: {  	[smem:$0x3F9B] =	sst s1;
	(tag) =	ssettag s2;
	_ =	strace s9  }
0x27: {  	s1 =	sld [smem:$0x3FAB]  }
0x28: {  	s2 =	sld [smem:$0x3FAC]  }
0x29: {  	s4 =	sld [smem:$0x3FAE]  }
0x2a: {  	p0 =	seq.s32 s5, $0x0;
	s5 =	sld [smem:$0x3FAF]  }
0x2b: {  	s6 =	sld [smem:$0x3FB0]  }
0x2c: {  	s7 =	sld [smem:$0x3FB1]  }
0x2d: {  	s3 =	simm.s32 $0x108;
	s8 =	sld [smem:$0x3FB2]  }
0x2e: {  	s3 =	simm.s32 @!p0 $0x1082;
	s9 =	sld [smem:$0x3FB3]  }
0x2f: {  	lr =	sadd.s32 s0, s3;
	s0 =	sld [smem:$0x3FAA]  }
0x30: {  	s3 =	sld [smem:$0x3FAD]  }
0x31: {  	[smem:$0x3FB6] =	sst s10  }
0x32: {  	s10 =	sld [smem:$0x3FB4];
	_ =	sdelay $0x3  }
0x33: {  	p0 =	seq.s32 s10, $0x1;
	s10 =	sld [smem:$0x3FB6];
	_ =	sdelay $0x3  }
0x34: {  	[smem:$0x3FB6] =	sst s10  }
0x35: {  	s10 =	sld [smem:$0x3FB5];
	_ =	sdelay $0x3  }
0x36: {  	p1 =	seq.s32 s10, $0x1;
	s10 =	sld [smem:$0x3FB6];
	_ =	sdelay $0x3  }
0x37: {  	[smem:$0x3FB6] =	sst s10  }
0x38: {  	s10 =	sld [smem:$0x3FB7]  }
0x39: {  	_ = 	snop;
	(pc) =	sbr.ind lr, $3  }
0x3a: {  	_ = 	snop  }
0x3b: {  	_ = 	snop  }
0x3c: {  	p2 =	seq.s32 s10, $0x1;
	s10 =	sld [smem:$0x3FB6]  }
0x3d: {  	_ =	shalt  }
0x3e: {  	_ =	shalt  }
0x3f: {  	_ =	shalt  }
0x40: {  	_ =	shalt  }
0x41: {  	_ =	shalt  }
0x42: {  	_ =	shalt  }
0x43: {  	_ =	shalt  }
0x44: {  	_ =	shalt  }
0x45: {  	_ =	shalt  }
0x46: {  	_ =	shalt  }
0x47: {  	_ =	shalt  }
0x48: {  	_ =	shalt  }
0x49: {  	_ =	shalt  }
0x4a: {  	_ =	shalt  }
0x4b: {  	_ =	shalt  }
0x4c: {  	_ =	shalt  }
0x4d: {  	_ =	shalt  }
0x4e: {  	_ =	shalt  }
0x4f: {  	_ =	shalt  }
0x50: {  	_ =	shalt  }
0x51: {  	_ =	shalt  }
0x52: {  	_ =	shalt  }
0x53: {  	_ =	shalt  }
0x54: {  	_ =	shalt  }
0x55: {  	_ =	shalt  }
0x56: {  	_ =	shalt  }
0x57: {  	_ =	shalt  }
0x58: {  	_ =	shalt  }
0x59: {  	_ =	shalt  }
0x5a: {  	_ =	shalt  }
0x5b: {  	_ =	shalt  }
0x5c: {  	_ =	shalt  }
0x5d: {  	_ =	shalt  }
0x5e: {  	_ =	shalt  }
0x5f: {  	_ =	shalt  }
0x60: {  	_ =	shalt  }
0x61: {  	_ =	shalt  }
0x62: {  	_ =	shalt  }
0x63: {  	_ =	shalt  }
0x64: {  	_ =	shalt  }
0x65: {  	_ =	shalt  }
0x66: {  	_ =	shalt  }
0x67: {  	_ =	shalt  }
0x68: {  	_ =	shalt  }
0x69: {  	_ =	shalt  }
0x6a: {  	_ =	shalt  }
0x6b: {  	_ =	shalt  }
0x6c: {  	_ =	shalt  }
0x6d: {  	_ =	shalt  }
0x6e: {  	_ =	shalt  }
0x6f: {  	_ =	shalt  }
0x70: {  	_ =	shalt  }
0x71: {  	_ =	shalt  }
0x72: {  	_ =	shalt  }
0x73: {  	_ =	shalt  }
0x74: {  	_ =	shalt  }
0x75: {  	_ =	shalt  }
0x76: {  	_ =	shalt  }
0x77: {  	_ =	shalt  }
0x78: {  	_ =	shalt  }
0x79: {  	_ =	shalt  }
0x7a: {  	_ =	shalt  }
0x7b: {  	_ =	shalt  }
0x7c: {  	_ =	shalt  }
0x7d: {  	_ =	shalt  }
0x7e: {  	_ =	shalt  }
0x7f: {  	_ =	shalt  }
0x80: {  	_ =	shalt  }
0x81: {  	_ =	shalt  }
0x82: {  	_ =	shalt  }
0x83: {  	_ =	shalt  }
0x84: {  	_ =	shalt  }
0x85: {  	_ =	shalt  }
0x86: {  	_ =	shalt  }
0x87: {  	_ =	shalt  }
.Lfunc_end0:
.L_simem_size_0:
called_computation.1_lowered:
.L_overlay_start_0:
0x88: {  	s2 =	sld [smem:$0x3FD9]  }
0x89: {  	s3 =	sld [smem:$0x3FFE];
	_ =	sdelay $0x1  }
0x8a: {  	s1 =	srdreg.scid  }
0x8b: {  	s0 =	sand.u32 $0x1, s1  }
0x8c: {  	s17 =	sshll.u32 s0, $0xA;
	s2 =	sadd.s32 s3, s2  }
0x8d: {  	s2 =	sadd.s32 s2, s17  }
0x8e: {  	[smem:$0x3FC2] =	sst s2  }
0x8f: {  	_ = 	snop  }
0x90: {  	s2 =	sld [smem:$0x3FD0];
	(tm) =	ssettm $0x1  }
0x91: {  	s18 =	sld [smem:$0x3FFB];
	_ =	sdelay $0x3  }
0x92: {  	_ =	strace s18  }
0x93: {  	s3 =	sld [smem:$0x3FFC];
	_ =	sdelay $0x3  }
0x94: {  	_ =	strace s3  }
0x95: {  	s3 =	sld [smem:$0x3FFD];
	_ =	sdelay $0x3  }
0x96: {  	_ =	strace s3  }
0x97: {  	_ =	strace $0x8FFFFFFF  }
0x98: {  	s19 =	sld [smem:$0x3FDB];
	_ =	sdelay $0x1  }
0x99: {  	s4 =	simm.s32 $_scs_section_size  }
0x9a: {  	s5 =	simm.s32 $_size__tile_overlayer_lowered;
	s6 =	simm.s32 $_tile_overlayer_lowered  }
0x9b: {  	s22 =	simm.s32 $0x1BFF;
	s21 =	sshll.u32 s6, $0x1;
	s3 =	sadd.s32 s4, s19  }
0x9c: {  	s7 =	simm.s32 $0x0;
	s20 =	sshll.u32 s5, $0x1;
	s5 =	sadd.s32 s21, s3  }
0x9d: {  	[timem:s7], [sflag:s22] =	dma.local [hbm:s5], s20  }
0x9e: {  	_ =	swait.ge [sflag:s22], s20  }
0x9f: {  	s4 =	ssub.s32 $0x0, s20;
	[sflag:s22] =	ssyncset.done $0x0  }
0xa0: {  	[sflag:s22] =	ssyncadd.s32 s4;
	_ =	sdelay $0x1  }
0xa1: {  	s23 =	simm.s32 $0x1B8B  }
0xa2: {  	_ =	swait.ge [sflag:s23], $0x1  }
0xa3: {  	[sflag:s23] =	ssyncset.done $0x0  }
0xa4: {  	s25 =	simm.s32 $0x1B8E;
	s24 =	sld [smem:$0x3FFE];
	[sflag:s23] =	ssyncadd.s32 $0xFFFFFFFF  }
0xa5: {  	s26 =	simm.s32 $execute0_lowered;
	[smem:$0x3FD2] =	sst s25  }
0xa6: {  	s5 =	sshll.u32 s26, $0x1;
	_ =	strace $0x80000049;
	[dreg:$0x1] =	wrdreg $0xFFFFFFFF  }
0xa7: {  	s28 =	simm.s32 $_size_execute0_lowered;
	s3 =	sadd.s32 s3, s5;
	[dreg:$0x0] =	wrdreg $0x0  }
0xa8: {  	s5 =	sshll.u32 s28, $0x1;
	[dreg:$0x2] =	wrdreg s3  }
0xa9: {  	[dreg:$0x3] =	wrdreg s5  }
0xaa: {  	[dreg:$0x4] =	wrdreg $0xC0  }
0xab: {  	_ =	task [dreg:s7], $0x5FFFF  }
0xac: {  	[dreg:$0x1] =	wrdreg $0xFFFFFFFF  }
0xad: {  	[dreg:$0x0] =	wrdreg $0x60  }
0xae: {  	[dreg:$0x2] =	wrdreg s24  }
0xaf: {  	[dreg:$0x3] =	wrdreg s2  }
0xb0: {  	[dreg:$0x4] =	wrdreg $0xB0000  }
0xb1: {  	[dreg:$0x5] =	wrdreg $0x9  }
0xb2: {  	_ =	task.clear_ibuf [dreg:s7], $0x6FFFF;
	_ =	strace $0x90000049  }
0xb3: {  	s29 =	simm.s32 $0x9;
	_ =	strace $0x8000004B  }
0xb4: {  	_ =	swait.ge [sflag:s29], $0x1  }
0xb5: {  	[sflag:s29] =	ssyncadd.s32 $0xFFFFFFFF  }
0xb6: {  	_ =	strace $0x9000004B  }
0xb7: {  	_ =	sfence  }
0xb8: {  	s30 =	sld [smem:$0x0];
	_ =	sdelay $0x2  }
0xb9: {  	s31 =	sshll.u32 s1, $0xD;
	s1 =	sshrl.u32 s1, $0x2  }
0xba: {  	s3 =	sand.u32 $0x4000, s31;
	s1 =	sadd.s32 s1, s30  }
0xbb: {  	s0 =	sor.u32 s3, s0;
	s1 =	sshll.u32 s1, $0x11  }
0xbc: {  	s0 =	sor.u32 s1, s0  }
0xbd: {  	s0 =	sadd.s32 $0x8F2B, s0  }
0xbe: {  	[sflag:s0] =	ssyncadd.remote.s32 $0x1  }
0xbf: {  	_ =	sfence.sel $0xFFFF  }
0xc0: {  	[dreg:$0x0] =	wrdreg $0xFFFFFFFF;
	(pc) =	sbr.abs _section_cstart, $3  }
0xc1: {  	[dreg:$0x1] =	wrdreg $0xFFFFFFFF  }
0xc2: {  	_ =	task.clear_ibuf [dreg:s7], $0x2FFFF;
	_ =	strace $0x9FFFFFFF  }
0xc3: {  	(tm) =	ssettm $0x7FFFFFFF  }
tec
execute0_lowered:
.L_overlay_start_1:
0x0: {  	(tag) =	ssettag $0x1  }
0x1: {  	s0 =	rddreg [dreg:$0x0]  }
0x2: {  	s1 =	rddreg [dreg:$0x1]  }
0x3: {  	s2 =	rddreg [dreg:$0x2]  }
0x4: {  	s3 =	srdreg.scid;
	s4 =	simm.s32 $0x0;
	s16 =	simm.s32 $0x3  }
0x5: {  	s17 =	simm.s32 $0x40;
	s18 =	simm.s32 $0x7000;
	s19 =	simm.s32 $0x0  }
0x6: {  	s6 =	sand.u32 $0x1, s3;
	s3 =	stileid.u32;
	[smem:$0x7FF] =	sst s4  }
0x7: {  	s5 =	sadd.s32 $0x47600, s0;
	s10 =	sadd.s32 $0x2B600, s0;
	s7 =	smul.u32 $0x13C000, s6  }
0x8: {  	s11 =	sadd.s32 $0xF600, s0;
	s8 =	smul.u32 $0x13C00, s3;
	_ =	strace $0x8000004A  }
0x9: {  	s28 =	ssub.s32 $0x2, s6;
	s9 =	sshll.u32 s6, $0x4;
	s13 =	smul.u32 $0x4F000, s3  }
0xa: {  	p0 =	seq.s32 s6, $0x0;
	s6 =	simm.s32 $0x6A;
	s30 =	sshll.u32 s3, $0x6  }
0xb: {  	s12 =	sshrl.u32 s28, $0x1;
	s9 =	sor.u32 s3, s9;
	s6 =	simm.s32 @!p0 $0x34  }
0xc: {  	s7 =	sadd.s32 s8, s7;
	s9 =	smul.u32 $0x7000, s9;
	s29 =	sshrl.u32 s13, $0x2  }
0xd: {  	s14 =	ssub.s32 s28, s12;
	s7 =	sshrl.u32 s7, $0x3;
	s15 =	sadd.s32 s29, s2  }
0xe: {  	s13 =	smax.u32 s14, $0x1;
	s14 =	sadd.s32 $0xFFFFFFFF, s6;
	s0 =	sadd.s32 s7, s0  }
0xf: {  	s9 =	sshrl.u32 s9, $0x3;
	s7 =	sor.u32 $0x1C03, s30;
	s15 =	sshrl.u32 s15, $0x3  }
0x10: {  	s31 =	sadd.s32 $0x700, s9;
	s8 =	sadd.s32 s10, s9;
	s9 =	sadd.s32 s11, s9  }
0x11: {  	s12 =	sadd.s32 $0x6E800, s0;
	s10 =	sadd.s32 s10, s31;
	s11 =	sadd.s32 s11, s31  }
.LBB2_1:
0x12: {  	[spmem:s15], [sflag:s7] =	dma.local [hbm:s1], $0x2780  }
0x13: {  	_ =	swait.ge [sflag:s16], $0x2780  }
0x14: {  	[sflag:s16] =	ssyncset.done $0x0  }
0x15: {  	[sflag:s16] =	ssyncadd.s32 $0xFFFFD880  }
0x16: {  	[bflag:$0x0] =	sbarrier.arrive $0xFFFF  }
0x17: {  	[tilespmem:s4], [sflag:$0x3] =	stream.linear.gather [hbm4b:s8+s4], $0x3500, $0x38;
	[tilespmem:$0x1EC00] =	vst v63  }
0x18: {  	_ =	swait.ge [sflag:s16], $0x3500  }
0x19: {  	[sflag:s16] =	ssyncset.done $0x0  }
0x1a: {  	s20 =	simm.s32 $0x3800;
	[sflag:s16] =	ssyncadd.s32 $0xFFFFCB00  }
0x1b: {  	[tilespmem:s20], [sflag:$0x3] =	stream.linear.gather [hbm4b:s9+s4], $0x3500, $0x38;
	[tilespmem:$0x1EC00] =	vst v63  }
0x1c: {  	s0 =	simm.s32 $0x1;
	_ =	swait.ge [sflag:s16], $0x3500  }
0x1d: {  	s21 =	simm.s32 $0x80;
	s23 =	sand.u32 $0x1, s0;
	[sflag:s16] =	ssyncset.done $0x0  }
0x1e: {  	s24 =	sand.u32 $0x1, s4;
	s22 =	sshll.u32 s23, $0xD;
	[sflag:s16] =	ssyncadd.s32 $0xFFFFCB00  }
0x1f: {  	[tilespmem:s18], [sflag:$0x1] =	stream.indirect.gather [hbm4b:s5+s17], $0x80, s4, s17, $0xb8;
	[tilespmem:$0x1EC00] =	vst v63  }
0x20: {  	p1 =	sne.s32 s14, $0x1;
	s23 =	sadd.s32 $0x1, s23;
	s22 =	sadd.s32 $0x7000, s22  }
0x21: {  	[tilespmem:s22], [sflag:s23] =	stream.indirect.gather [hbm4b:s5+s17], $0x80, s21, s17, $0xb8;
	[tilespmem:$0x1EC00] =	vst v63  }
.Ltmp0:
0x22: {  	s30 =	sadd.s32 $0x1, s24;
	(pc) =	sbr.rel @!p1 .LBB2_2-.Ltmp0, $4  }
0x23: {  	_ =	swait.ge [sflag:s30], $0x2000  }
0x24: {  	p0 =	por $0x0, $0x0;
	s24 =	sshll.u32 s24, $0xD;
	[sflag:s30] =	ssyncset.done $0x0  }
0x25: {  	s31 =	sadd.s32 $0x7000, s24;
	s24 =	simm.s32 $0x1;
	[sflag:s30] =	ssyncadd.s32 $0xFFFFE000  }
0x26: {  	[spmem:s2] =	stream.indirect.scatter.add.f32 [tilespmem:s31], [sflag:$0x3], $0x80, s20, s17, $0xb8;
	[tilespmem:$0x1EC00] =	vst v63  }
0x27: {  	s29 =	simm.s32 $0x2;
	_ =	swait.ge [sflag:s16], $0x2000  }
0x28: {  	s25 =	simm.s32 $0x100;
	s0 =	sand.u32 $0x1, s0;
	s23 =	sand.u32 $0x1, s29  }
0x29: {  	p2 =	sne.s32 s14, $0x2;
	[sflag:s16] =	ssyncset.done $0x0;
	s22 =	sshll.u32 s23, $0xD  }
0x2a: {  	s23 =	sadd.s32 $0x1, s23;
	[sflag:s16] =	ssyncadd.s32 $0xFFFFE000;
	s22 =	sadd.s32 $0x7000, s22  }
0x2b: {  	[tilespmem:s22], [sflag:s23] =	stream.indirect.gather [hbm4b:s5+s17], $0x80, s25, s17, $0xb8;
	[tilespmem:$0x1EC00] =	vst v63  }
.Ltmp1:
0x2c: {  	s30 =	sadd.s32 $0x1, s0;
	(pc) =	sbr.rel @!p2 .LBB2_4-.Ltmp1, $4  }
0x2d: {  	s28 =	simm.s32 $0x3880;
	_ =	swait.ge [sflag:s30], $0x2000  }
0x2e: {  	p1 =	por $0x1, $0x1;
	s0 =	sshll.u32 s0, $0xD;
	[sflag:s30] =	ssyncset.done $0x0  }
0x2f: {  	s26 =	simm.s32 $0x1;
	s31 =	sadd.s32 $0x7000, s0;
	[sflag:s30] =	ssyncadd.s32 $0xFFFFE000  }
0x30: {  	[spmem:s2] =	stream.indirect.scatter.add.f32 [tilespmem:s31], [sflag:$0x3], $0x80, s28, s17, $0xb8;
	[tilespmem:$0x1EC00] =	vst v63  }
.LBB2_5:
0x31: {  	s26 =	sadd.s32 $0x1, s26  }
0x32: {  	s0 =	smov.u32 s29;
	s29 =	sadd.s32 $0x1, s29;
	s25 =	sadd.s32 $0x80, s25  }
0x33: {  	s23 =	sand.u32 $0x1, s29;
	_ =	swait.ge [sflag:s16], $0x2000;
	s0 =	sand.u32 $0x1, s0  }
0x34: {  	p2 =	sne.s32 s14, s29;
	s22 =	sshll.u32 s23, $0xD;
	[sflag:s16] =	ssyncset.done $0x0  }
0x35: {  	s23 =	sadd.s32 $0x1, s23;
	s22 =	sadd.s32 $0x7000, s22;
	[sflag:s16] =	ssyncadd.s32 $0xFFFFE000  }
0x36: {  	[tilespmem:s22], [sflag:s23] =	stream.indirect.gather [hbm4b:s5+s17], $0x80, s25, s17, $0xb8;
	[tilespmem:$0x1EC00] =	vst v63  }
.Ltmp2:
0x37: {  	s31 =	sshll.u32 s0, $0xD;
	s30 =	sadd.s32 $0x1, s0;
	(pc) =	sbr.rel @p2 .LBB2_5-.Ltmp2, $4  }
0x38: {  	_ =	swait.ge [sflag:s30], $0x2000  }
0x39: {  	s28 =	sadd.s32 $0x80, s28;
	[sflag:s30] =	ssyncset.done $0x0  }
0x3a: {  	s31 =	sadd.s32 $0x7000, s31;
	[sflag:s30] =	ssyncadd.s32 $0xFFFFE000  }
0x3b: {  	[spmem:s2] =	stream.indirect.scatter.add.f32 [tilespmem:s31], [sflag:$0x3], $0x80, s28, s17, $0xb8;
	[tilespmem:$0x1EC00] =	vst v63  }
0x3c: {  	s0 =	smov.u32 s29  }
.LBB2_7:
0x3d: {  	_ =	swait.ge [sflag:s16], $0x2000;
	s0 =	sadd.s32 $0x1, s0  }
0x3e: {  	[sflag:s16] =	ssyncset.done $0x0;
	p2 =	sge.u32 s0, s6  }
0x3f: {  	s0 =	sadd.s32 $0x80, s25;
	[sflag:s16] =	ssyncadd.s32 $0xFFFFE000;
	s25 =	simm.s32 @!p2 $0x40  }
0x40: {  	[tilespmem:s31], [sflag:s30] =	stream.indirect.gather @!p2 [hbm4b:s5+s25], $0x80, s0, s25, $0xb8;
	[tilespmem:$0x1EC00] =	vst v63  }
0x41: {  	_ =	swait.ge [sflag:s23], $0x2000  }
0x42: {  	[sflag:s23] =	ssyncset.done $0x0  }
0x43: {  	s25 =	sadd.s32 $0x80, s28;
	[sflag:s23] =	ssyncadd.s32 $0xFFFFE000  }
0x44: {  	[spmem:s2] =	stream.indirect.scatter.add.f32 [tilespmem:s22], [sflag:$0x3], $0x80, s25, s17, $0xb8;
	[tilespmem:$0x1EC00] =	vst v63  }
0x45: {  	_ =	swait.ge [sflag:s16], $0x2000  }
0x46: {  	[sflag:s16] =	ssyncset.done $0x0  }
0x47: {  	[sflag:s16] =	ssyncadd.s32 $0xFFFFE000  }
0x48: {  	[tilespmem:s4], [sflag:$0x3] =	stream.linear.gather [hbm4b:s10+s4], $0x3500, $0x38;
	[tilespmem:$0x1EC00] =	vst v63  }
0x49: {  	s0 =	sadd.s32 @p1 $0x1, s26;
	_ =	swait.ge [sflag:s16], $0x3500  }
0x4a: {  	s0 =	smov.u32 @p1 s0;
	[sflag:s16] =	ssyncset.done $0x0  }
0x4b: {  	p1 =	sne.s32 s0, $0x1;
	[sflag:s16] =	ssyncadd.s32 $0xFFFFCB00  }
0x4c: {  	[tilespmem:s20], [sflag:$0x3] =	stream.linear.gather [hbm4b:s11+s4], $0x3500, $0x38;
	[tilespmem:$0x1EC00] =	vst v63  }
.Ltmp3:
0x4d: {  	_ = 	snop;
	(pc) =	sbr.rel @!p1 .LBB2_10-.Ltmp3, $4  }
0x4e: {  	_ =	swait.ge [sflag:s16], $0x3500  }
0x4f: {  	[sflag:s16] =	ssyncset.done $0x0  }
0x50: {  	s26 =	sadd.s32 $0xFFFFFFFF, s0;
	s0 =	sand.u32 $0x1, s24;
	[sflag:s16] =	ssyncadd.s32 $0xFFFFCB00  }
0x51: {  	[tilespmem:s18], [sflag:$0x1] =	stream.indirect.gather [hbm4b:s5+s17], $0x80, s4, s17, $0xb8;
	[tilespmem:$0x1EC00] =	vst v63  }
0x52: {  	s24 =	simm.s32 $0x0;
	s28 =	sshll.u32 s0, $0xD  }
0x53: {  	s30 =	sadd.s32 $0x1, s0;
	p1 =	sne.s32 s26, $0x1;
	s24 =	sand.u32 $0x1, s24  }
0x54: {  	s26 =	sadd.s32 $0xFFFFFFFF, s26;
	s28 =	sadd.s32 $0x7000, s28;
	s29 =	sadd.s32 $0x1, s24  }
0x55: {  	[tilespmem:s28], [sflag:s30] =	stream.indirect.gather [hbm4b:s5+s17], $0x80, s21, s17, $0xb8;
	[tilespmem:$0x1EC00] =	vst v63  }
.Ltmp4:
0x56: {  	p0 =	por $0x1, $0x1;
	_ =	swait.ge [sflag:s29], $0x2000;
	(pc) =	sbr.rel @!p1 .LBB2_10-.Ltmp4, $4  }
0x57: {  	s31 =	sshll.u32 s24, $0xD;
	s24 =	simm.s32 $0x2;
	[sflag:s29] =	ssyncset.done $0x0  }
0x58: {  	s21 =	simm.s32 $0x100;
	s0 =	sadd.s32 $0x7000, s31;
	[sflag:s29] =	ssyncadd.s32 $0xFFFFE000  }
0x59: {  	[spmem:s2] =	stream.indirect.scatter.add.f32 [tilespmem:s0], [sflag:$0x3], $0x80, s20, s17, $0xb8;
	[tilespmem:$0x1EC00] =	vst v63  }
0x5a: {  	s0 =	sand.u32 $0x1, s24;
	s20 =	simm.s32 $0x3880;
	_ =	swait.ge [sflag:s16], $0x2000  }
.LBB2_9:
0x5b: {  	s28 =	sadd.s32 $0xFFFFFFFF, s24  }
0x5c: {  	s29 =	sshll.u32 s0, $0xD;
	[sflag:s16] =	ssyncset.done $0x0;
	s0 =	sadd.s32 $0x1, s0  }
0x5d: {  	p1 =	sne.s32 s26, $0x1;
	s28 =	sand.u32 $0x1, s28;
	s29 =	sadd.s32 $0x7000, s29  }
0x5e: {  	s30 =	sshll.u32 s28, $0xD;
	s28 =	sadd.s32 $0x1, s28;
	[sflag:s16] =	ssyncadd.s32 $0xFFFFE000  }
0x5f: {  	[tilespmem:s29], [sflag:s0] =	stream.indirect.gather [hbm4b:s5+s17], $0x80, s21, s17, $0xb8;
	[tilespmem:$0x1EC00] =	vst v63  }
.Ltmp5:
0x60: {  	_ =	swait.ge [sflag:s28], $0x2000;
	(pc) =	sbr.rel @p1 .LBB2_9-.Ltmp5, $4  }
0x61: {  	s26 =	sadd.s32 $0xFFFFFFFF, s26;
	s0 =	sadd.s32 $0x7000, s30;
	[sflag:s28] =	ssyncset.done $0x0  }
0x62: {  	s24 =	sadd.s32 $0x1, s24;
	s21 =	sadd.s32 $0x80, s21;
	[sflag:s28] =	ssyncadd.s32 $0xFFFFE000  }
0x63: {  	[spmem:s2] =	stream.indirect.scatter.add.f32 [tilespmem:s0], [sflag:$0x3], $0x80, s20, s17, $0xb8;
	[tilespmem:$0x1EC00] =	vst v63  }
0x64: {  	s0 =	sand.u32 $0x1, s24;
	s20 =	sadd.s32 $0x80, s20;
	_ =	swait.ge [sflag:s16], $0x2000  }
.LBB2_10:
0x65: {  	s24 =	sadd.s32 $0xFFFFFFFF, s24;
	s26 =	sshll.u32 s0, $0xD  }
0x66: {  	[sflag:s16] =	ssyncset.done @p0 $0x0;
	s30 =	sadd.s32 $0x1, s0;
	s24 =	sand.u32 $0x1, s24  }
0x67: {  	s26 =	sadd.s32 $0x7000, s26;
	[sflag:s16] =	ssyncadd.s32 @p0 $0xFFFFE000;
	s28 =	sadd.s32 $0x1, s24  }
0x68: {  	[tilespmem:s26], [sflag:s30] =	stream.indirect.gather [hbm4b:s5+s17], $0x80, s21, s17, $0xb8;
	[tilespmem:$0x1EC00] =	vst v63  }
0x69: {  	_ =	swait.ge [sflag:s28], $0x2000  }
0x6a: {  	s31 =	sshll.u32 s24, $0xD;
	[sflag:s28] =	ssyncset.done $0x0  }
0x6b: {  	s0 =	sadd.s32 $0x7000, s31;
	[sflag:s28] =	ssyncadd.s32 $0xFFFFE000  }
0x6c: {  	[spmem:s2] =	stream.indirect.scatter.add.f32 [tilespmem:s0], [sflag:$0x3], $0x80, s20, s17, $0xb8;
	[tilespmem:$0x1EC00] =	vst v63  }
0x6d: {  	_ =	swait.ge [sflag:s16], $0x2000  }
0x6e: {  	[sflag:s16] =	ssyncset.done $0x0  }
0x6f: {  	[sflag:s16] =	ssyncadd.s32 $0xFFFFE000  }
0x70: {  	_ =	swait.ge [sflag:s23], $0x2000  }
0x71: {  	[sflag:s23] =	ssyncset.done $0x0  }
0x72: {  	[sflag:s23] =	ssyncadd.s32 $0xFFFFE000  }
0x73: {  	[spmem:s2] =	stream.indirect.scatter.add.f32 [tilespmem:s22], [sflag:$0x3], $0x80, s25, s17, $0xb8;
	[tilespmem:$0x1EC00] =	vst v63  }
0x74: {  	_ =	swait.ge [sflag:s16], $0x2000  }
0x75: {  	[sflag:s16] =	ssyncset.done $0x0  }
0x76: {  	s19 =	sadd.s32 $0x1, s19;
	[sflag:s16] =	ssyncadd.s32 $0xFFFFE000  }
0x77: {  	p0 =	sne.s32 s19, s13;
	[bflag:$0x0] =	sbarrier.arrive $0xFFFF  }
0x78: {  	[hbm:s12], [sflag:s7] =	dma.local [spmem:s15], $0x2780  }
.Ltmp6:
0x79: {  	_ = 	snop;
	(pc) =	sbr.rel @p0 .LBB2_1-.Ltmp6, $4  }
.Ltmp7:
0x7a: {  	_ = 	snop;
	(pc) =	sbr.rel @!p0 .LBB2_11-.Ltmp7, $4  }
0x7b: {  	_ =	swait.ge [sflag:s16], $0x2780  }
0x7c: {  	[sflag:s16] =	ssyncset.done $0x0  }
0x7d: {  	[sflag:s16] =	ssyncadd.s32 $0xFFFFD880  }
0x7e: {  	_ = 	snop  }
.LBB2_2:
.Ltmp8:
0x7f: {  	(pc) =	sbr.rel .LBB2_7-.Ltmp8, $3  }
0x80: {  	_ =	sdelay $0x1  }
0x81: {  	s26 =	simm.s32 $0x1  }
0x82: {  	s25 =	simm.s32 $0x80;
	s28 =	simm.s32 $0x3800;
	p1 =	por $0x0, $0x0  }
.LBB2_4:
.Ltmp9:
0x83: {  	(pc) =	sbr.rel .LBB2_7-.Ltmp9, $2  }
0x84: {  	_ =	sdelay $0x2  }
0x85: {  	s0 =	simm.s32 $0x2;
	s26 =	simm.s32 $0x1  }
.LBB2_11:
0x86: {  	_ =	sfence.sel $0x180000  }
0x87: {  	[bflag:$0x0] =	sbarrier.arrive $0xFFFF  }
0x88: {  	_ =	strace $0x9000004A  }
0x89: {  	[bflag:$0x2] =	sbarrier.arrive $0xFFFF  }
0x8a: {  	p0 =	sne.s32 s3, $0x0;
	s0 =	rddreg [dreg:$0x3]  }
0x8b: {  	s0 =	sadd.s32 @!p0 $0x100000, s0  }
0x8c: {  	[sflag:s0] =	ssyncadd.tile.s32 @!p0 $0x1;
	_ =	shalt  }
.Lfunc_end2:
_tile_overlayer_lowered:
.L_overlay_start_2:
0x8d: {  	(tag) =	ssettag $0x2  }
0x8e: {  	s0 =	rddreg [dreg:$0x0];
	s2 =	stileid.u32  }
0x8f: {  	s1 =	rddreg [dreg:$0x1];
	p0 =	sne.s32 s2, $0x0  }
0x90: {  	s3 =	rddreg [dreg:$0x2];
	[bflag:$0x3] =	sbarrier.arrive $0xFFFF;
	s2 =	simm.s32 @!p0 $0x1C03  }
0x91: {  	[timem:s3], [sflag:s2] =	dma.local @!p0 [hbm:s0], s1  }
0x92: {  	s0 =	simm.s32 @!p0 $0x3  }
0x93: {  	_ =	swait.ge @!p0 [sflag:s0], s1  }
0x94: {  	s1 =	ssub.s32 @!p0 $0x0, s1;
	[sflag:s0] =	ssyncset.done @!p0 $0x0  }
0x95: {  	[sflag:s0] =	ssyncadd.s32 @!p0 s1  }
0x96: {  	[bflag:$0x3] =	sbarrier.arrive $0xFFFF  }
0x97: {  	_ =	shalt  }

// kernel: kernel.14.cloned.1.call-start
scs
__scs_entry_jumppad:
0x0: {  	(pc) =	sbr.rel $0x88, $3  }
0x1: {  	(tag) =	ssettag $0x0;
	lr =	simm.s32 $0x1  }
0x2: {  	[smem:$0x3F9B] =	sst lr;
	_ =	strace $0xD0000000  }
0x3: {  	_ = 	snop  }
0x4: {  	_ = 	snop  }
0x5: {  	_ = 	snop  }
0x6: {  	_ = 	snop  }
0x7: {  	_ = 	snop  }
__scs_overlays_trampoline_lowered:
0x8: {  	[smem:$0x3FAA] =	sst s0  }
0x9: {  	[smem:$0x3FAB] =	sst s1  }
0xa: {  	[smem:$0x3FAC] =	sst s2  }
0xb: {  	[smem:$0x3FAD] =	sst s3  }
0xc: {  	[smem:$0x3FAE] =	sst s4  }
0xd: {  	[smem:$0x3FAF] =	sst s5  }
0xe: {  	[smem:$0x3FB0] =	sst s6  }
0xf: {  	[smem:$0x3FB1] =	sst s7  }
0x10: {  	[smem:$0x3FB2] =	sst s8  }
0x11: {  	[smem:$0x3FB3] =	sst s9;
	s0 =	simm.s32 @!p0 $0x0  }
0x12: {  	s1 =	sld [smem:$0x3F99];
	s0 =	simm.s32 @p0 $0x1  }
0x13: {  	[smem:$0x3FB4] =	sst s0;
	s0 =	simm.s32 @!p1 $0x0  }
0x14: {  	s2 =	sld [smem:$0x3F98];
	s0 =	simm.s32 @p1 $0x1  }
0x15: {  	[smem:$0x3FB5] =	sst s0;
	s0 =	simm.s32 @!p2 $0x0  }
0x16: {  	s3 =	sld [smem:$0x3FDB];
	s0 =	simm.s32 @p2 $0x1  }
0x17: {  	s4 =	simm.s32 $0x1BF5;
	[smem:$0x3FB7] =	sst s0  }
0x18: {  	s0 =	sld [smem:$0x3F9A];
	_ =	swait.ge [sflag:s4], $0x0  }
0x19: {  	s7 =	sld [smem:$0x3F9B]  }
0x1a: {  	s8 =	sadd.s32 $0xFFFFE003, lr  }
0x1b: {  	s9 =	sadd.s32 $0xFFFFFEF7, lr;
	s5 =	simm.s32 $0xFFFFFFFF;
	p2 =	slt.u32 s8, $0xFFFFF086  }
0x1c: {  	p1 =	slt.u32 s9, $0xF7A;
	s5 =	simm.s32 @!p2 $0x0  }
0x1d: {  	s5 =	simm.s32 @p1 $0x1;
	p0 =	seq.s32 s7, s2  }
0x1e: {  	s7 =	smul.u32 @!p0 $0xF7A, s2;
	p2 =	seq.s32 @!p0 s5, $0x0  }
0x1f: {  	s9 =	smul.u32 $0xF7A, s1;
	s8 =	simm.s32 @!p0 $0x1BF5;
	p2 =	por !p2, p0  }
0x20: {  	[sflag:s8] =	ssyncset.s32 @!p0 $0xFFFFF086;
	s6 =	sadd.s32 @!p0 s3, s7;
	s7 =	simm.s32 @!p0 $0x108  }
0x21: {  	s3 =	sadd.s32 s3, s9;
	s6 =	sadd.s32 @!p0 $0x88, s6;
	s7 =	simm.s32 @p2 $0x1082  }
0x22: {  	[simem:s7], [sflag:s8] =	dma.local @!p0 [hbm:s6], $0xF7A  }
0x23: {  	s9 =	sor.u32 $0xD0000000, s2;
	s6 =	simm.s32 $0x108;
	_ =	swait.ge @!p0 [sflag:s8], $0x0  }
0x24: {  	s3 =	sadd.s32 $0x88, s3;
	s6 =	simm.s32 @!p1 $0x1082;
	[sflag:s4] =	ssyncset.s32 $0xFFFFF086  }
0x25: {  	[simem:s6], [sflag:s4] =	dma.local [hbm:s3], $0xF7A  }
0x26: {  	[smem:$0x3F9B] =	sst s1;
	(tag) =	ssettag s2;
	_ =	strace s9  }
0x27: {  	s1 =	sld [smem:$0x3FAB]  }
0x28: {  	s2 =	sld [smem:$0x3FAC]  }
0x29: {  	s4 =	sld [smem:$0x3FAE]  }
0x2a: {  	p0 =	seq.s32 s5, $0x0;
	s5 =	sld [smem:$0x3FAF]  }
0x2b: {  	s6 =	sld [smem:$0x3FB0]  }
0x2c: {  	s7 =	sld [smem:$0x3FB1]  }
0x2d: {  	s3 =	simm.s32 $0x108;
	s8 =	sld [smem:$0x3FB2]  }
0x2e: {  	s3 =	simm.s32 @!p0 $0x1082;
	s9 =	sld [smem:$0x3FB3]  }
0x2f: {  	lr =	sadd.s32 s0, s3;
	s0 =	sld [smem:$0x3FAA]  }
0x30: {  	s3 =	sld [smem:$0x3FAD]  }
0x31: {  	[smem:$0x3FB6] =	sst s10  }
0x32: {  	s10 =	sld [smem:$0x3FB4];
	_ =	sdelay $0x3  }
0x33: {  	p0 =	seq.s32 s10, $0x1;
	s10 =	sld [smem:$0x3FB6];
	_ =	sdelay $0x3  }
0x34: {  	[smem:$0x3FB6] =	sst s10  }
0x35: {  	s10 =	sld [smem:$0x3FB5];
	_ =	sdelay $0x3  }
0x36: {  	p1 =	seq.s32 s10, $0x1;
	s10 =	sld [smem:$0x3FB6];
	_ =	sdelay $0x3  }
0x37: {  	[smem:$0x3FB6] =	sst s10  }
0x38: {  	s10 =	sld [smem:$0x3FB7]  }
0x39: {  	_ = 	snop;
	(pc) =	sbr.ind lr, $3  }
0x3a: {  	_ = 	snop  }
0x3b: {  	_ = 	snop  }
0x3c: {  	p2 =	seq.s32 s10, $0x1;
	s10 =	sld [smem:$0x3FB6]  }
0x3d: {  	_ =	shalt  }
0x3e: {  	_ =	shalt  }
0x3f: {  	_ =	shalt  }
0x40: {  	_ =	shalt  }
0x41: {  	_ =	shalt  }
0x42: {  	_ =	shalt  }
0x43: {  	_ =	shalt  }
0x44: {  	_ =	shalt  }
0x45: {  	_ =	shalt  }
0x46: {  	_ =	shalt  }
0x47: {  	_ =	shalt  }
0x48: {  	_ =	shalt  }
0x49: {  	_ =	shalt  }
0x4a: {  	_ =	shalt  }
0x4b: {  	_ =	shalt  }
0x4c: {  	_ =	shalt  }
0x4d: {  	_ =	shalt  }
0x4e: {  	_ =	shalt  }
0x4f: {  	_ =	shalt  }
0x50: {  	_ =	shalt  }
0x51: {  	_ =	shalt  }
0x52: {  	_ =	shalt  }
0x53: {  	_ =	shalt  }
0x54: {  	_ =	shalt  }
0x55: {  	_ =	shalt  }
0x56: {  	_ =	shalt  }
0x57: {  	_ =	shalt  }
0x58: {  	_ =	shalt  }
0x59: {  	_ =	shalt  }
0x5a: {  	_ =	shalt  }
0x5b: {  	_ =	shalt  }
0x5c: {  	_ =	shalt  }
0x5d: {  	_ =	shalt  }
0x5e: {  	_ =	shalt  }
0x5f: {  	_ =	shalt  }
0x60: {  	_ =	shalt  }
0x61: {  	_ =	shalt  }
0x62: {  	_ =	shalt  }
0x63: {  	_ =	shalt  }
0x64: {  	_ =	shalt  }
0x65: {  	_ =	shalt  }
0x66: {  	_ =	shalt  }
0x67: {  	_ =	shalt  }
0x68: {  	_ =	shalt  }
0x69: {  	_ =	shalt  }
0x6a: {  	_ =	shalt  }
0x6b: {  	_ =	shalt  }
0x6c: {  	_ =	shalt  }
0x6d: {  	_ =	shalt  }
0x6e: {  	_ =	shalt  }
0x6f: {  	_ =	shalt  }
0x70: {  	_ =	shalt  }
0x71: {  	_ =	shalt  }
0x72: {  	_ =	shalt  }
0x73: {  	_ =	shalt  }
0x74: {  	_ =	shalt  }
0x75: {  	_ =	shalt  }
0x76: {  	_ =	shalt  }
0x77: {  	_ =	shalt  }
0x78: {  	_ =	shalt  }
0x79: {  	_ =	shalt  }
0x7a: {  	_ =	shalt  }
0x7b: {  	_ =	shalt  }
0x7c: {  	_ =	shalt  }
0x7d: {  	_ =	shalt  }
0x7e: {  	_ =	shalt  }
0x7f: {  	_ =	shalt  }
0x80: {  	_ =	shalt  }
0x81: {  	_ =	shalt  }
0x82: {  	_ =	shalt  }
0x83: {  	_ =	shalt  }
0x84: {  	_ =	shalt  }
0x85: {  	_ =	shalt  }
0x86: {  	_ =	shalt  }
0x87: {  	_ =	shalt  }
.Lfunc_end0:
.L_simem_size_0:
called_computation.2_lowered:
.L_overlay_start_0:
0x88: {  	s2 =	sld [smem:$0x3FD9]  }
0x89: {  	s3 =	sld [smem:$0x3FFE];
	_ =	sdelay $0x1  }
0x8a: {  	s1 =	srdreg.scid  }
0x8b: {  	s0 =	sand.u32 $0x1, s1  }
0x8c: {  	s17 =	sshll.u32 s0, $0xA;
	s2 =	sadd.s32 s3, s2  }
0x8d: {  	s2 =	sadd.s32 s2, s17  }
0x8e: {  	[smem:$0x3FC2] =	sst s2  }
0x8f: {  	_ = 	snop  }
0x90: {  	s2 =	sld [smem:$0x3FD0];
	(tm) =	ssettm $0x1  }
0x91: {  	s18 =	sld [smem:$0x3FFB];
	_ =	sdelay $0x3  }
0x92: {  	_ =	strace s18  }
0x93: {  	s3 =	sld [smem:$0x3FFC];
	_ =	sdelay $0x3  }
0x94: {  	_ =	strace s3  }
0x95: {  	s3 =	sld [smem:$0x3FFD];
	_ =	sdelay $0x3  }
0x96: {  	_ =	strace s3  }
0x97: {  	_ =	strace $0x8FFFFFFF  }
0x98: {  	s19 =	sld [smem:$0x3FDB];
	_ =	sdelay $0x1  }
0x99: {  	s4 =	simm.s32 $_scs_section_size  }
0x9a: {  	s5 =	simm.s32 $_size__tile_overlayer_lowered;
	s6 =	simm.s32 $_tile_overlayer_lowered  }
0x9b: {  	s22 =	simm.s32 $0x1BFF;
	s21 =	sshll.u32 s6, $0x1;
	s3 =	sadd.s32 s4, s19  }
0x9c: {  	s7 =	simm.s32 $0x0;
	s20 =	sshll.u32 s5, $0x1;
	s5 =	sadd.s32 s21, s3  }
0x9d: {  	[timem:s7], [sflag:s22] =	dma.local [hbm:s5], s20  }
0x9e: {  	_ =	swait.ge [sflag:s22], s20  }
0x9f: {  	s4 =	ssub.s32 $0x0, s20;
	[sflag:s22] =	ssyncset.done $0x0  }
0xa0: {  	[sflag:s22] =	ssyncadd.s32 s4;
	_ =	sdelay $0x1  }
0xa1: {  	s23 =	simm.s32 $0x1B8B  }
0xa2: {  	_ =	swait.ge [sflag:s23], $0x1  }
0xa3: {  	[sflag:s23] =	ssyncset.done $0x0  }
0xa4: {  	s25 =	simm.s32 $0x1B8E;
	s24 =	sld [smem:$0x3FFE];
	[sflag:s23] =	ssyncadd.s32 $0xFFFFFFFF  }
0xa5: {  	s26 =	simm.s32 $execute0_lowered;
	[smem:$0x3FD2] =	sst s25  }
0xa6: {  	s5 =	sshll.u32 s26, $0x1;
	_ =	strace $0x8000004C;
	[dreg:$0x1] =	wrdreg $0xFFFFFFFF  }
0xa7: {  	s28 =	simm.s32 $_size_execute0_lowered;
	s3 =	sadd.s32 s3, s5;
	[dreg:$0x0] =	wrdreg $0x0  }
0xa8: {  	s5 =	sshll.u32 s28, $0x1;
	[dreg:$0x2] =	wrdreg s3  }
0xa9: {  	[dreg:$0x3] =	wrdreg s5  }
0xaa: {  	[dreg:$0x4] =	wrdreg $0xC0  }
0xab: {  	_ =	task [dreg:s7], $0x5FFFF  }
0xac: {  	[dreg:$0x1] =	wrdreg $0xFFFFFFFF  }
0xad: {  	[dreg:$0x0] =	wrdreg $0x60  }
0xae: {  	[dreg:$0x2] =	wrdreg s24  }
0xaf: {  	[dreg:$0x3] =	wrdreg s2  }
0xb0: {  	[dreg:$0x4] =	wrdreg $0xB0000  }
0xb1: {  	[dreg:$0x5] =	wrdreg $0x9  }
0xb2: {  	_ =	task.clear_ibuf [dreg:s7], $0x6FFFF;
	_ =	strace $0x9000004C  }
0xb3: {  	s29 =	simm.s32 $0x9;
	_ =	strace $0x8000004E  }
0xb4: {  	_ =	swait.ge [sflag:s29], $0x1  }
0xb5: {  	[sflag:s29] =	ssyncadd.s32 $0xFFFFFFFF  }
0xb6: {  	_ =	strace $0x9000004E  }
0xb7: {  	_ =	sfence  }
0xb8: {  	s30 =	sld [smem:$0x0];
	_ =	sdelay $0x2  }
0xb9: {  	s31 =	sshll.u32 s1, $0xD;
	s1 =	sshrl.u32 s1, $0x2  }
0xba: {  	s3 =	sand.u32 $0x4000, s31;
	s1 =	sadd.s32 s1, s30  }
0xbb: {  	s0 =	sor.u32 s3, s0;
	s1 =	sshll.u32 s1, $0x11  }
0xbc: {  	s0 =	sor.u32 s1, s0  }
0xbd: {  	s0 =	sadd.s32 $0x8F2B, s0  }
0xbe: {  	[sflag:s0] =	ssyncadd.remote.s32 $0x1  }
0xbf: {  	_ =	sfence.sel $0xFFFF  }
0xc0: {  	[dreg:$0x0] =	wrdreg $0xFFFFFFFF;
	(pc) =	sbr.abs _section_cstart, $3  }
0xc1: {  	[dreg:$0x1] =	wrdreg $0xFFFFFFFF  }
0xc2: {  	_ =	task.clear_ibuf [dreg:s7], $0x2FFFF;
	_ =	strace $0x9FFFFFFF  }
0xc3: {  	(tm) =	ssettm $0x7FFFFFFF  }
tec
execute0_lowered:
.L_overlay_start_1:
0x0: {  	(tag) =	ssettag $0x1  }
0x1: {  	s0 =	rddreg [dreg:$0x0]  }
0x2: {  	s1 =	rddreg [dreg:$0x1]  }
0x3: {  	s2 =	rddreg [dreg:$0x2]  }
0x4: {  	s3 =	srdreg.scid;
	s4 =	simm.s32 $0x0;
	s16 =	simm.s32 $0x3  }
0x5: {  	s17 =	simm.s32 $0x40;
	s18 =	simm.s32 $0x7000;
	s19 =	simm.s32 $0x0  }
0x6: {  	s6 =	sand.u32 $0x1, s3;
	s3 =	stileid.u32;
	[smem:$0x7FF] =	sst s4  }
0x7: {  	s5 =	sadd.s32 $0x47600, s0;
	s10 =	sadd.s32 $0x2B600, s0;
	s7 =	smul.u32 $0x13C000, s6  }
0x8: {  	s11 =	sadd.s32 $0xF600, s0;
	s8 =	smul.u32 $0x13C00, s3;
	_ =	strace $0x8000004D  }
0x9: {  	s28 =	ssub.s32 $0x2, s6;
	s9 =	sshll.u32 s6, $0x4;
	s13 =	smul.u32 $0x4F000, s3  }
0xa: {  	p0 =	seq.s32 s6, $0x0;
	s6 =	simm.s32 $0x6A;
	s30 =	sshll.u32 s3, $0x6  }
0xb: {  	s12 =	sshrl.u32 s28, $0x1;
	s9 =	sor.u32 s3, s9;
	s6 =	simm.s32 @!p0 $0x34  }
0xc: {  	s7 =	sadd.s32 s8, s7;
	s9 =	smul.u32 $0x7000, s9;
	s29 =	sshrl.u32 s13, $0x2  }
0xd: {  	s14 =	ssub.s32 s28, s12;
	s7 =	sshrl.u32 s7, $0x3;
	s15 =	sadd.s32 s29, s2  }
0xe: {  	s13 =	smax.u32 s14, $0x1;
	s14 =	sadd.s32 $0xFFFFFFFF, s6;
	s0 =	sadd.s32 s7, s0  }
0xf: {  	s9 =	sshrl.u32 s9, $0x3;
	s7 =	sor.u32 $0x1C03, s30;
	s15 =	sshrl.u32 s15, $0x3  }
0x10: {  	s31 =	sadd.s32 $0x700, s9;
	s8 =	sadd.s32 s10, s9;
	s9 =	sadd.s32 s11, s9  }
0x11: {  	s12 =	sadd.s32 $0x6E800, s0;
	s10 =	sadd.s32 s10, s31;
	s11 =	sadd.s32 s11, s31  }
.LBB2_1:
0x12: {  	[spmem:s15], [sflag:s7] =	dma.local [hbm:s1], $0x2780  }
0x13: {  	_ =	swait.ge [sflag:s16], $0x2780  }
0x14: {  	[sflag:s16] =	ssyncset.done $0x0  }
0x15: {  	[sflag:s16] =	ssyncadd.s32 $0xFFFFD880  }
0x16: {  	[bflag:$0x0] =	sbarrier.arrive $0xFFFF  }
0x17: {  	[tilespmem:s4], [sflag:$0x3] =	stream.linear.gather [hbm4b:s8+s4], $0x3500, $0x38;
	[tilespmem:$0x1EC00] =	vst v63  }
0x18: {  	_ =	swait.ge [sflag:s16], $0x3500  }
0x19: {  	[sflag:s16] =	ssyncset.done $0x0  }
0x1a: {  	s20 =	simm.s32 $0x3800;
	[sflag:s16] =	ssyncadd.s32 $0xFFFFCB00  }
0x1b: {  	[tilespmem:s20], [sflag:$0x3] =	stream.linear.gather [hbm4b:s9+s4], $0x3500, $0x38;
	[tilespmem:$0x1EC00] =	vst v63  }
0x1c: {  	s0 =	simm.s32 $0x1;
	_ =	swait.ge [sflag:s16], $0x3500  }
0x1d: {  	s21 =	simm.s32 $0x80;
	s23 =	sand.u32 $0x1, s0;
	[sflag:s16] =	ssyncset.done $0x0  }
0x1e: {  	s24 =	sand.u32 $0x1, s4;
	s22 =	sshll.u32 s23, $0xD;
	[sflag:s16] =	ssyncadd.s32 $0xFFFFCB00  }
0x1f: {  	[tilespmem:s18], [sflag:$0x1] =	stream.indirect.gather [hbm4b:s5+s17], $0x80, s4, s17, $0xb8;
	[tilespmem:$0x1EC00] =	vst v63  }
0x20: {  	p1 =	sne.s32 s14, $0x1;
	s23 =	sadd.s32 $0x1, s23;
	s22 =	sadd.s32 $0x7000, s22  }
0x21: {  	[tilespmem:s22], [sflag:s23] =	stream.indirect.gather [hbm4b:s5+s17], $0x80, s21, s17, $0xb8;
	[tilespmem:$0x1EC00] =	vst v63  }
.Ltmp0:
0x22: {  	s30 =	sadd.s32 $0x1, s24;
	(pc) =	sbr.rel @!p1 .LBB2_2-.Ltmp0, $4  }
0x23: {  	_ =	swait.ge [sflag:s30], $0x2000  }
0x24: {  	p0 =	por $0x0, $0x0;
	s24 =	sshll.u32 s24, $0xD;
	[sflag:s30] =	ssyncset.done $0x0  }
0x25: {  	s31 =	sadd.s32 $0x7000, s24;
	s24 =	simm.s32 $0x1;
	[sflag:s30] =	ssyncadd.s32 $0xFFFFE000  }
0x26: {  	[spmem:s2] =	stream.indirect.scatter.add.f32 [tilespmem:s31], [sflag:$0x3], $0x80, s20, s17, $0xb8;
	[tilespmem:$0x1EC00] =	vst v63  }
0x27: {  	s29 =	simm.s32 $0x2;
	_ =	swait.ge [sflag:s16], $0x2000  }
0x28: {  	s25 =	simm.s32 $0x100;
	s0 =	sand.u32 $0x1, s0;
	s23 =	sand.u32 $0x1, s29  }
0x29: {  	p2 =	sne.s32 s14, $0x2;
	[sflag:s16] =	ssyncset.done $0x0;
	s22 =	sshll.u32 s23, $0xD  }
0x2a: {  	s23 =	sadd.s32 $0x1, s23;
	[sflag:s16] =	ssyncadd.s32 $0xFFFFE000;
	s22 =	sadd.s32 $0x7000, s22  }
0x2b: {  	[tilespmem:s22], [sflag:s23] =	stream.indirect.gather [hbm4b:s5+s17], $0x80, s25, s17, $0xb8;
	[tilespmem:$0x1EC00] =	vst v63  }
.Ltmp1:
0x2c: {  	s30 =	sadd.s32 $0x1, s0;
	(pc) =	sbr.rel @!p2 .LBB2_4-.Ltmp1, $4  }
0x2d: {  	s28 =	simm.s32 $0x3880;
	_ =	swait.ge [sflag:s30], $0x2000  }
0x2e: {  	p1 =	por $0x1, $0x1;
	s0 =	sshll.u32 s0, $0xD;
	[sflag:s30] =	ssyncset.done $0x0  }
0x2f: {  	s26 =	simm.s32 $0x1;
	s31 =	sadd.s32 $0x7000, s0;
	[sflag:s30] =	ssyncadd.s32 $0xFFFFE000  }
0x30: {  	[spmem:s2] =	stream.indirect.scatter.add.f32 [tilespmem:s31], [sflag:$0x3], $0x80, s28, s17, $0xb8;
	[tilespmem:$0x1EC00] =	vst v63  }
.LBB2_5:
0x31: {  	s26 =	sadd.s32 $0x1, s26  }
0x32: {  	s0 =	smov.u32 s29;
	s29 =	sadd.s32 $0x1, s29;
	s25 =	sadd.s32 $0x80, s25  }
0x33: {  	s23 =	sand.u32 $0x1, s29;
	_ =	swait.ge [sflag:s16], $0x2000;
	s0 =	sand.u32 $0x1, s0  }
0x34: {  	p2 =	sne.s32 s14, s29;
	s22 =	sshll.u32 s23, $0xD;
	[sflag:s16] =	ssyncset.done $0x0  }
0x35: {  	s23 =	sadd.s32 $0x1, s23;
	s22 =	sadd.s32 $0x7000, s22;
	[sflag:s16] =	ssyncadd.s32 $0xFFFFE000  }
0x36: {  	[tilespmem:s22], [sflag:s23] =	stream.indirect.gather [hbm4b:s5+s17], $0x80, s25, s17, $0xb8;
	[tilespmem:$0x1EC00] =	vst v63  }
.Ltmp2:
0x37: {  	s31 =	sshll.u32 s0, $0xD;
	s30 =	sadd.s32 $0x1, s0;
	(pc) =	sbr.rel @p2 .LBB2_5-.Ltmp2, $4  }
0x38: {  	_ =	swait.ge [sflag:s30], $0x2000  }
0x39: {  	s28 =	sadd.s32 $0x80, s28;
	[sflag:s30] =	ssyncset.done $0x0  }
0x3a: {  	s31 =	sadd.s32 $0x7000, s31;
	[sflag:s30] =	ssyncadd.s32 $0xFFFFE000  }
0x3b: {  	[spmem:s2] =	stream.indirect.scatter.add.f32 [tilespmem:s31], [sflag:$0x3], $0x80, s28, s17, $0xb8;
	[tilespmem:$0x1EC00] =	vst v63  }
0x3c: {  	s0 =	smov.u32 s29  }
.LBB2_7:
0x3d: {  	_ =	swait.ge [sflag:s16], $0x2000;
	s0 =	sadd.s32 $0x1, s0  }
0x3e: {  	[sflag:s16] =	ssyncset.done $0x0;
	p2 =	sge.u32 s0, s6  }
0x3f: {  	s0 =	sadd.s32 $0x80, s25;
	[sflag:s16] =	ssyncadd.s32 $0xFFFFE000;
	s25 =	simm.s32 @!p2 $0x40  }
0x40: {  	[tilespmem:s31], [sflag:s30] =	stream.indirect.gather @!p2 [hbm4b:s5+s25], $0x80, s0, s25, $0xb8;
	[tilespmem:$0x1EC00] =	vst v63  }
0x41: {  	_ =	swait.ge [sflag:s23], $0x2000  }
0x42: {  	[sflag:s23] =	ssyncset.done $0x0  }
0x43: {  	s25 =	sadd.s32 $0x80, s28;
	[sflag:s23] =	ssyncadd.s32 $0xFFFFE000  }
0x44: {  	[spmem:s2] =	stream.indirect.scatter.add.f32 [tilespmem:s22], [sflag:$0x3], $0x80, s25, s17, $0xb8;
	[tilespmem:$0x1EC00] =	vst v63  }
0x45: {  	_ =	swait.ge [sflag:s16], $0x2000  }
0x46: {  	[sflag:s16] =	ssyncset.done $0x0  }
0x47: {  	[sflag:s16] =	ssyncadd.s32 $0xFFFFE000  }
0x48: {  	[tilespmem:s4], [sflag:$0x3] =	stream.linear.gather [hbm4b:s10+s4], $0x3500, $0x38;
	[tilespmem:$0x1EC00] =	vst v63  }
0x49: {  	s0 =	sadd.s32 @p1 $0x1, s26;
	_ =	swait.ge [sflag:s16], $0x3500  }
0x4a: {  	s0 =	smov.u32 @p1 s0;
	[sflag:s16] =	ssyncset.done $0x0  }
0x4b: {  	p1 =	sne.s32 s0, $0x1;
	[sflag:s16] =	ssyncadd.s32 $0xFFFFCB00  }
0x4c: {  	[tilespmem:s20], [sflag:$0x3] =	stream.linear.gather [hbm4b:s11+s4], $0x3500, $0x38;
	[tilespmem:$0x1EC00] =	vst v63  }
.Ltmp3:
0x4d: {  	_ = 	snop;
	(pc) =	sbr.rel @!p1 .LBB2_10-.Ltmp3, $4  }
0x4e: {  	_ =	swait.ge [sflag:s16], $0x3500  }
0x4f: {  	[sflag:s16] =	ssyncset.done $0x0  }
0x50: {  	s26 =	sadd.s32 $0xFFFFFFFF, s0;
	s0 =	sand.u32 $0x1, s24;
	[sflag:s16] =	ssyncadd.s32 $0xFFFFCB00  }
0x51: {  	[tilespmem:s18], [sflag:$0x1] =	stream.indirect.gather [hbm4b:s5+s17], $0x80, s4, s17, $0xb8;
	[tilespmem:$0x1EC00] =	vst v63  }
0x52: {  	s24 =	simm.s32 $0x0;
	s28 =	sshll.u32 s0, $0xD  }
0x53: {  	s30 =	sadd.s32 $0x1, s0;
	p1 =	sne.s32 s26, $0x1;
	s24 =	sand.u32 $0x1, s24  }
0x54: {  	s26 =	sadd.s32 $0xFFFFFFFF, s26;
	s28 =	sadd.s32 $0x7000, s28;
	s29 =	sadd.s32 $0x1, s24  }
0x55: {  	[tilespmem:s28], [sflag:s30] =	stream.indirect.gather [hbm4b:s5+s17], $0x80, s21, s17, $0xb8;
	[tilespmem:$0x1EC00] =	vst v63  }
.Ltmp4:
0x56: {  	p0 =	por $0x1, $0x1;
	_ =	swait.ge [sflag:s29], $0x2000;
	(pc) =	sbr.rel @!p1 .LBB2_10-.Ltmp4, $4  }
0x57: {  	s31 =	sshll.u32 s24, $0xD;
	s24 =	simm.s32 $0x2;
	[sflag:s29] =	ssyncset.done $0x0  }
0x58: {  	s21 =	simm.s32 $0x100;
	s0 =	sadd.s32 $0x7000, s31;
	[sflag:s29] =	ssyncadd.s32 $0xFFFFE000  }
0x59: {  	[spmem:s2] =	stream.indirect.scatter.add.f32 [tilespmem:s0], [sflag:$0x3], $0x80, s20, s17, $0xb8;
	[tilespmem:$0x1EC00] =	vst v63  }
0x5a: {  	s0 =	sand.u32 $0x1, s24;
	s20 =	simm.s32 $0x3880;
	_ =	swait.ge [sflag:s16], $0x2000  }
.LBB2_9:
0x5b: {  	s28 =	sadd.s32 $0xFFFFFFFF, s24  }
0x5c: {  	s29 =	sshll.u32 s0, $0xD;
	[sflag:s16] =	ssyncset.done $0x0;
	s0 =	sadd.s32 $0x1, s0  }
0x5d: {  	p1 =	sne.s32 s26, $0x1;
	s28 =	sand.u32 $0x1, s28;
	s29 =	sadd.s32 $0x7000, s29  }
0x5e: {  	s30 =	sshll.u32 s28, $0xD;
	s28 =	sadd.s32 $0x1, s28;
	[sflag:s16] =	ssyncadd.s32 $0xFFFFE000  }
0x5f: {  	[tilespmem:s29], [sflag:s0] =	stream.indirect.gather [hbm4b:s5+s17], $0x80, s21, s17, $0xb8;
	[tilespmem:$0x1EC00] =	vst v63  }
.Ltmp5:
0x60: {  	_ =	swait.ge [sflag:s28], $0x2000;
	(pc) =	sbr.rel @p1 .LBB2_9-.Ltmp5, $4  }
0x61: {  	s26 =	sadd.s32 $0xFFFFFFFF, s26;
	s0 =	sadd.s32 $0x7000, s30;
	[sflag:s28] =	ssyncset.done $0x0  }
0x62: {  	s24 =	sadd.s32 $0x1, s24;
	s21 =	sadd.s32 $0x80, s21;
	[sflag:s28] =	ssyncadd.s32 $0xFFFFE000  }
0x63: {  	[spmem:s2] =	stream.indirect.scatter.add.f32 [tilespmem:s0], [sflag:$0x3], $0x80, s20, s17, $0xb8;
	[tilespmem:$0x1EC00] =	vst v63  }
0x64: {  	s0 =	sand.u32 $0x1, s24;
	s20 =	sadd.s32 $0x80, s20;
	_ =	swait.ge [sflag:s16], $0x2000  }
.LBB2_10:
0x65: {  	s24 =	sadd.s32 $0xFFFFFFFF, s24;
	s26 =	sshll.u32 s0, $0xD  }
0x66: {  	[sflag:s16] =	ssyncset.done @p0 $0x0;
	s30 =	sadd.s32 $0x1, s0;
	s24 =	sand.u32 $0x1, s24  }
0x67: {  	s26 =	sadd.s32 $0x7000, s26;
	[sflag:s16] =	ssyncadd.s32 @p0 $0xFFFFE000;
	s28 =	sadd.s32 $0x1, s24  }
0x68: {  	[tilespmem:s26], [sflag:s30] =	stream.indirect.gather [hbm4b:s5+s17], $0x80, s21, s17, $0xb8;
	[tilespmem:$0x1EC00] =	vst v63  }
0x69: {  	_ =	swait.ge [sflag:s28], $0x2000  }
0x6a: {  	s31 =	sshll.u32 s24, $0xD;
	[sflag:s28] =	ssyncset.done $0x0  }
0x6b: {  	s0 =	sadd.s32 $0x7000, s31;
	[sflag:s28] =	ssyncadd.s32 $0xFFFFE000  }
0x6c: {  	[spmem:s2] =	stream.indirect.scatter.add.f32 [tilespmem:s0], [sflag:$0x3], $0x80, s20, s17, $0xb8;
	[tilespmem:$0x1EC00] =	vst v63  }
0x6d: {  	_ =	swait.ge [sflag:s16], $0x2000  }
0x6e: {  	[sflag:s16] =	ssyncset.done $0x0  }
0x6f: {  	[sflag:s16] =	ssyncadd.s32 $0xFFFFE000  }
0x70: {  	_ =	swait.ge [sflag:s23], $0x2000  }
0x71: {  	[sflag:s23] =	ssyncset.done $0x0  }
0x72: {  	[sflag:s23] =	ssyncadd.s32 $0xFFFFE000  }
0x73: {  	[spmem:s2] =	stream.indirect.scatter.add.f32 [tilespmem:s22], [sflag:$0x3], $0x80, s25, s17, $0xb8;
	[tilespmem:$0x1EC00] =	vst v63  }
0x74: {  	_ =	swait.ge [sflag:s16], $0x2000  }
0x75: {  	[sflag:s16] =	ssyncset.done $0x0  }
0x76: {  	s19 =	sadd.s32 $0x1, s19;
	[sflag:s16] =	ssyncadd.s32 $0xFFFFE000  }
0x77: {  	p0 =	sne.s32 s19, s13;
	[bflag:$0x0] =	sbarrier.arrive $0xFFFF  }
0x78: {  	[hbm:s12], [sflag:s7] =	dma.local [spmem:s15], $0x2780  }
.Ltmp6:
0x79: {  	_ = 	snop;
	(pc) =	sbr.rel @p0 .LBB2_1-.Ltmp6, $4  }
.Ltmp7:
0x7a: {  	_ = 	snop;
	(pc) =	sbr.rel @!p0 .LBB2_11-.Ltmp7, $4  }
0x7b: {  	_ =	swait.ge [sflag:s16], $0x2780  }
0x7c: {  	[sflag:s16] =	ssyncset.done $0x0  }
0x7d: {  	[sflag:s16] =	ssyncadd.s32 $0xFFFFD880  }
0x7e: {  	_ = 	snop  }
.LBB2_2:
.Ltmp8:
0x7f: {  	(pc) =	sbr.rel .LBB2_7-.Ltmp8, $3  }
0x80: {  	_ =	sdelay $0x1  }
0x81: {  	s26 =	simm.s32 $0x1  }
0x82: {  	s25 =	simm.s32 $0x80;
	s28 =	simm.s32 $0x3800;
	p1 =	por $0x0, $0x0  }
.LBB2_4:
.Ltmp9:
0x83: {  	(pc) =	sbr.rel .LBB2_7-.Ltmp9, $2  }
0x84: {  	_ =	sdelay $0x2  }
0x85: {  	s0 =	simm.s32 $0x2;
	s26 =	simm.s32 $0x1  }
.LBB2_11:
0x86: {  	_ =	sfence.sel $0x180000  }
0x87: {  	[bflag:$0x0] =	sbarrier.arrive $0xFFFF  }
0x88: {  	_ =	strace $0x9000004D  }
0x89: {  	[bflag:$0x2] =	sbarrier.arrive $0xFFFF  }
0x8a: {  	p0 =	sne.s32 s3, $0x0;
	s0 =	rddreg [dreg:$0x3]  }
0x8b: {  	s0 =	sadd.s32 @!p0 $0x100000, s0  }
0x8c: {  	[sflag:s0] =	ssyncadd.tile.s32 @!p0 $0x1;
	_ =	shalt  }
.Lfunc_end2:
_tile_overlayer_lowered:
.L_overlay_start_2:
0x8d: {  	(tag) =	ssettag $0x2  }
0x8e: {  	s0 =	rddreg [dreg:$0x0];
	s2 =	stileid.u32  }
0x8f: {  	s1 =	rddreg [dreg:$0x1];
	p0 =	sne.s32 s2, $0x0  }
0x90: {  	s3 =	rddreg [dreg:$0x2];
	[bflag:$0x3] =	sbarrier.arrive $0xFFFF;
	s2 =	simm.s32 @!p0 $0x1C03  }
0x91: {  	[timem:s3], [sflag:s2] =	dma.local @!p0 [hbm:s0], s1  }
0x92: {  	s0 =	simm.s32 @!p0 $0x3  }
0x93: {  	_ =	swait.ge @!p0 [sflag:s0], s1  }
0x94: {  	s1 =	ssub.s32 @!p0 $0x0, s1;
	[sflag:s0] =	ssyncset.done @!p0 $0x0  }
0x95: {  	[sflag:s0] =	ssyncadd.s32 @!p0 s1  }
0x96: {  	[bflag:$0x3] =	sbarrier.arrive $0xFFFF  }
0x97: {  	_ =	shalt  }

// kernel: kernel.8.cloned.1.call-start
scs
__scs_entry_jumppad:
0x0: {  	(pc) =	sbr.rel $0x88, $3  }
0x1: {  	(tag) =	ssettag $0x0;
	lr =	simm.s32 $0x1  }
0x2: {  	[smem:$0x3F9B] =	sst lr;
	_ =	strace $0xD0000000  }
0x3: {  	_ = 	snop  }
0x4: {  	_ = 	snop  }
0x5: {  	_ = 	snop  }
0x6: {  	_ = 	snop  }
0x7: {  	_ = 	snop  }
__scs_overlays_trampoline_lowered:
0x8: {  	[smem:$0x3FAA] =	sst s0  }
0x9: {  	[smem:$0x3FAB] =	sst s1  }
0xa: {  	[smem:$0x3FAC] =	sst s2  }
0xb: {  	[smem:$0x3FAD] =	sst s3  }
0xc: {  	[smem:$0x3FAE] =	sst s4  }
0xd: {  	[smem:$0x3FAF] =	sst s5  }
0xe: {  	[smem:$0x3FB0] =	sst s6  }
0xf: {  	[smem:$0x3FB1] =	sst s7  }
0x10: {  	[smem:$0x3FB2] =	sst s8  }
0x11: {  	[smem:$0x3FB3] =	sst s9;
	s0 =	simm.s32 @!p0 $0x0  }
0x12: {  	s1 =	sld [smem:$0x3F99];
	s0 =	simm.s32 @p0 $0x1  }
0x13: {  	[smem:$0x3FB4] =	sst s0;
	s0 =	simm.s32 @!p1 $0x0  }
0x14: {  	s2 =	sld [smem:$0x3F98];
	s0 =	simm.s32 @p1 $0x1  }
0x15: {  	[smem:$0x3FB5] =	sst s0;
	s0 =	simm.s32 @!p2 $0x0  }
0x16: {  	s3 =	sld [smem:$0x3FDB];
	s0 =	simm.s32 @p2 $0x1  }
0x17: {  	s4 =	simm.s32 $0x1BF5;
	[smem:$0x3FB7] =	sst s0  }
0x18: {  	s0 =	sld [smem:$0x3F9A];
	_ =	swait.ge [sflag:s4], $0x0  }
0x19: {  	s7 =	sld [smem:$0x3F9B]  }
0x1a: {  	s8 =	sadd.s32 $0xFFFFE003, lr  }
0x1b: {  	s9 =	sadd.s32 $0xFFFFFEF7, lr;
	s5 =	simm.s32 $0xFFFFFFFF;
	p2 =	slt.u32 s8, $0xFFFFF086  }
0x1c: {  	p1 =	slt.u32 s9, $0xF7A;
	s5 =	simm.s32 @!p2 $0x0  }
0x1d: {  	s5 =	simm.s32 @p1 $0x1;
	p0 =	seq.s32 s7, s2  }
0x1e: {  	s7 =	smul.u32 @!p0 $0xF7A, s2;
	p2 =	seq.s32 @!p0 s5, $0x0  }
0x1f: {  	s9 =	smul.u32 $0xF7A, s1;
	s8 =	simm.s32 @!p0 $0x1BF5;
	p2 =	por !p2, p0  }
0x20: {  	[sflag:s8] =	ssyncset.s32 @!p0 $0xFFFFF086;
	s6 =	sadd.s32 @!p0 s3, s7;
	s7 =	simm.s32 @!p0 $0x108  }
0x21: {  	s3 =	sadd.s32 s3, s9;
	s6 =	sadd.s32 @!p0 $0x88, s6;
	s7 =	simm.s32 @p2 $0x1082  }
0x22: {  	[simem:s7], [sflag:s8] =	dma.local @!p0 [hbm:s6], $0xF7A  }
0x23: {  	s9 =	sor.u32 $0xD0000000, s2;
	s6 =	simm.s32 $0x108;
	_ =	swait.ge @!p0 [sflag:s8], $0x0  }
0x24: {  	s3 =	sadd.s32 $0x88, s3;
	s6 =	simm.s32 @!p1 $0x1082;
	[sflag:s4] =	ssyncset.s32 $0xFFFFF086  }
0x25: {  	[simem:s6], [sflag:s4] =	dma.local [hbm:s3], $0xF7A  }
0x26: {  	[smem:$0x3F9B] =	sst s1;
	(tag) =	ssettag s2;
	_ =	strace s9  }
0x27: {  	s1 =	sld [smem:$0x3FAB]  }
0x28: {  	s2 =	sld [smem:$0x3FAC]  }
0x29: {  	s4 =	sld [smem:$0x3FAE]  }
0x2a: {  	p0 =	seq.s32 s5, $0x0;
	s5 =	sld [smem:$0x3FAF]  }
0x2b: {  	s6 =	sld [smem:$0x3FB0]  }
0x2c: {  	s7 =	sld [smem:$0x3FB1]  }
0x2d: {  	s3 =	simm.s32 $0x108;
	s8 =	sld [smem:$0x3FB2]  }
0x2e: {  	s3 =	simm.s32 @!p0 $0x1082;
	s9 =	sld [smem:$0x3FB3]  }
0x2f: {  	lr =	sadd.s32 s0, s3;
	s0 =	sld [smem:$0x3FAA]  }
0x30: {  	s3 =	sld [smem:$0x3FAD]  }
0x31: {  	[smem:$0x3FB6] =	sst s10  }
0x32: {  	s10 =	sld [smem:$0x3FB4];
	_ =	sdelay $0x3  }
0x33: {  	p0 =	seq.s32 s10, $0x1;
	s10 =	sld [smem:$0x3FB6];
	_ =	sdelay $0x3  }
0x34: {  	[smem:$0x3FB6] =	sst s10  }
0x35: {  	s10 =	sld [smem:$0x3FB5];
	_ =	sdelay $0x3  }
0x36: {  	p1 =	seq.s32 s10, $0x1;
	s10 =	sld [smem:$0x3FB6];
	_ =	sdelay $0x3  }
0x37: {  	[smem:$0x3FB6] =	sst s10  }
0x38: {  	s10 =	sld [smem:$0x3FB7]  }
0x39: {  	_ = 	snop;
	(pc) =	sbr.ind lr, $3  }
0x3a: {  	_ = 	snop  }
0x3b: {  	_ = 	snop  }
0x3c: {  	p2 =	seq.s32 s10, $0x1;
	s10 =	sld [smem:$0x3FB6]  }
0x3d: {  	_ =	shalt  }
0x3e: {  	_ =	shalt  }
0x3f: {  	_ =	shalt  }
0x40: {  	_ =	shalt  }
0x41: {  	_ =	shalt  }
0x42: {  	_ =	shalt  }
0x43: {  	_ =	shalt  }
0x44: {  	_ =	shalt  }
0x45: {  	_ =	shalt  }
0x46: {  	_ =	shalt  }
0x47: {  	_ =	shalt  }
0x48: {  	_ =	shalt  }
0x49: {  	_ =	shalt  }
0x4a: {  	_ =	shalt  }
0x4b: {  	_ =	shalt  }
0x4c: {  	_ =	shalt  }
0x4d: {  	_ =	shalt  }
0x4e: {  	_ =	shalt  }
0x4f: {  	_ =	shalt  }
0x50: {  	_ =	shalt  }
0x51: {  	_ =	shalt  }
0x52: {  	_ =	shalt  }
0x53: {  	_ =	shalt  }
0x54: {  	_ =	shalt  }
0x55: {  	_ =	shalt  }
0x56: {  	_ =	shalt  }
0x57: {  	_ =	shalt  }
0x58: {  	_ =	shalt  }
0x59: {  	_ =	shalt  }
0x5a: {  	_ =	shalt  }
0x5b: {  	_ =	shalt  }
0x5c: {  	_ =	shalt  }
0x5d: {  	_ =	shalt  }
0x5e: {  	_ =	shalt  }
0x5f: {  	_ =	shalt  }
0x60: {  	_ =	shalt  }
0x61: {  	_ =	shalt  }
0x62: {  	_ =	shalt  }
0x63: {  	_ =	shalt  }
0x64: {  	_ =	shalt  }
0x65: {  	_ =	shalt  }
0x66: {  	_ =	shalt  }
0x67: {  	_ =	shalt  }
0x68: {  	_ =	shalt  }
0x69: {  	_ =	shalt  }
0x6a: {  	_ =	shalt  }
0x6b: {  	_ =	shalt  }
0x6c: {  	_ =	shalt  }
0x6d: {  	_ =	shalt  }
0x6e: {  	_ =	shalt  }
0x6f: {  	_ =	shalt  }
0x70: {  	_ =	shalt  }
0x71: {  	_ =	shalt  }
0x72: {  	_ =	shalt  }
0x73: {  	_ =	shalt  }
0x74: {  	_ =	shalt  }
0x75: {  	_ =	shalt  }
0x76: {  	_ =	shalt  }
0x77: {  	_ =	shalt  }
0x78: {  	_ =	shalt  }
0x79: {  	_ =	shalt  }
0x7a: {  	_ =	shalt  }
0x7b: {  	_ =	shalt  }
0x7c: {  	_ =	shalt  }
0x7d: {  	_ =	shalt  }
0x7e: {  	_ =	shalt  }
0x7f: {  	_ =	shalt  }
0x80: {  	_ =	shalt  }
0x81: {  	_ =	shalt  }
0x82: {  	_ =	shalt  }
0x83: {  	_ =	shalt  }
0x84: {  	_ =	shalt  }
0x85: {  	_ =	shalt  }
0x86: {  	_ =	shalt  }
0x87: {  	_ =	shalt  }
.Lfunc_end0:
.L_simem_size_0:
called_computation_lowered:
.L_overlay_start_0:
0x88: {  	s2 =	sld [smem:$0x3FD9]  }
0x89: {  	s3 =	sld [smem:$0x3FFE];
	_ =	sdelay $0x1  }
0x8a: {  	s1 =	srdreg.scid  }
0x8b: {  	s0 =	sand.u32 $0x1, s1  }
0x8c: {  	s17 =	sshll.u32 s0, $0xA;
	s2 =	sadd.s32 s3, s2  }
0x8d: {  	s2 =	sadd.s32 s2, s17  }
0x8e: {  	[smem:$0x3FC2] =	sst s2  }
0x8f: {  	_ = 	snop  }
0x90: {  	s2 =	sld [smem:$0x3FD0];
	(tm) =	ssettm $0x1  }
0x91: {  	s18 =	sld [smem:$0x3FFB];
	_ =	sdelay $0x3  }
0x92: {  	_ =	strace s18  }
0x93: {  	s3 =	sld [smem:$0x3FFC];
	_ =	sdelay $0x3  }
0x94: {  	_ =	strace s3  }
0x95: {  	s3 =	sld [smem:$0x3FFD];
	_ =	sdelay $0x3  }
0x96: {  	_ =	strace s3  }
0x97: {  	_ =	strace $0x8FFFFFFF  }
0x98: {  	s19 =	sld [smem:$0x3FDB];
	_ =	sdelay $0x1  }
0x99: {  	s4 =	simm.s32 $_scs_section_size  }
0x9a: {  	s5 =	simm.s32 $_size__tile_overlayer_lowered;
	s6 =	simm.s32 $_tile_overlayer_lowered  }
0x9b: {  	s22 =	simm.s32 $0x1BFF;
	s21 =	sshll.u32 s6, $0x1;
	s3 =	sadd.s32 s4, s19  }
0x9c: {  	s7 =	simm.s32 $0x0;
	s20 =	sshll.u32 s5, $0x1;
	s5 =	sadd.s32 s21, s3  }
0x9d: {  	[timem:s7], [sflag:s22] =	dma.local [hbm:s5], s20  }
0x9e: {  	_ =	swait.ge [sflag:s22], s20  }
0x9f: {  	s4 =	ssub.s32 $0x0, s20;
	[sflag:s22] =	ssyncset.done $0x0  }
0xa0: {  	[sflag:s22] =	ssyncadd.s32 s4;
	_ =	sdelay $0x1  }
0xa1: {  	s23 =	simm.s32 $0x1B8B  }
0xa2: {  	_ =	swait.ge [sflag:s23], $0x1  }
0xa3: {  	[sflag:s23] =	ssyncset.done $0x0  }
0xa4: {  	s25 =	simm.s32 $0x1B8E;
	s24 =	sld [smem:$0x3FFE];
	[sflag:s23] =	ssyncadd.s32 $0xFFFFFFFF  }
0xa5: {  	s26 =	simm.s32 $execute0_lowered;
	[smem:$0x3FD2] =	sst s25  }
0xa6: {  	s5 =	sshll.u32 s26, $0x1;
	_ =	strace $0x80000046;
	[dreg:$0x1] =	wrdreg $0xFFFFFFFF  }
0xa7: {  	s28 =	simm.s32 $_size_execute0_lowered;
	s3 =	sadd.s32 s3, s5;
	[dreg:$0x0] =	wrdreg $0x0  }
0xa8: {  	s5 =	sshll.u32 s28, $0x1;
	[dreg:$0x2] =	wrdreg s3  }
0xa9: {  	[dreg:$0x3] =	wrdreg s5  }
0xaa: {  	[dreg:$0x4] =	wrdreg $0xC0  }
0xab: {  	_ =	task [dreg:s7], $0x5FFFF  }
0xac: {  	[dreg:$0x1] =	wrdreg $0xFFFFFFFF  }
0xad: {  	[dreg:$0x0] =	wrdreg $0x60  }
0xae: {  	[dreg:$0x2] =	wrdreg s24  }
0xaf: {  	[dreg:$0x3] =	wrdreg s2  }
0xb0: {  	[dreg:$0x4] =	wrdreg $0x9  }
0xb1: {  	_ =	task.clear_ibuf [dreg:s7], $0x5FFFF;
	_ =	strace $0x90000046  }
0xb2: {  	s29 =	simm.s32 $0x9;
	_ =	strace $0x80000048  }
0xb3: {  	_ =	swait.ge [sflag:s29], $0x1  }
0xb4: {  	[sflag:s29] =	ssyncadd.s32 $0xFFFFFFFF  }
0xb5: {  	_ =	strace $0x90000048  }
0xb6: {  	_ =	sfence  }
0xb7: {  	s30 =	sld [smem:$0x0];
	_ =	sdelay $0x2  }
0xb8: {  	s31 =	sshll.u32 s1, $0xD;
	s1 =	sshrl.u32 s1, $0x2  }
0xb9: {  	s3 =	sand.u32 $0x4000, s31;
	s1 =	sadd.s32 s1, s30  }
0xba: {  	s0 =	sor.u32 s3, s0;
	s1 =	sshll.u32 s1, $0x11  }
0xbb: {  	s0 =	sor.u32 s1, s0  }
0xbc: {  	s0 =	sadd.s32 $0x8F2B, s0  }
0xbd: {  	[sflag:s0] =	ssyncadd.remote.s32 $0x1  }
0xbe: {  	_ =	sfence.sel $0xFFFF  }
0xbf: {  	[dreg:$0x0] =	wrdreg $0xFFFFFFFF;
	(pc) =	sbr.abs _section_cstart, $3  }
0xc0: {  	[dreg:$0x1] =	wrdreg $0xFFFFFFFF  }
0xc1: {  	_ =	task.clear_ibuf [dreg:s7], $0x2FFFF;
	_ =	strace $0x9FFFFFFF  }
0xc2: {  	(tm) =	ssettm $0x7FFFFFFF  }
0xc3: {  	_ =	shalt  }
tec
execute0_lowered:
.L_overlay_start_1:
0x0: {  	(tag) =	ssettag $0x1  }
0x1: {  	s0 =	srdreg.scid  }
0x2: {  	s4 =	rddreg [dreg:$0x0];
	s3 =	sand.u32 $0x1, s0  }
0x3: {  	s6 =	rddreg [dreg:$0x1];
	s0 =	stileid.u32;
	s1 =	sshll.u32 s3, $0x4  }
0x4: {  	s2 =	simm.s32 $0x0;
	s10 =	simm.s32 $0x3500;
	s1 =	sor.u32 s0, s1  }
0x5: {  	s11 =	simm.s32 $0x0;
	[smem:$0x7FF] =	sst s2;
	s5 =	sshrl.u32 s1, $0x3  }
0x6: {  	s7 =	sshll.u32 s0, $0x7;
	s9 =	ssub.s32 $0x2, s3;
	s8 =	smul.u32 $0x1A800, s5  }
0x7: {  	s3 =	sadd.s32 $0xF000, s4;
	s7 =	sand.u32 $0x380, s7;
	s5 =	smul.u32 $0x13C00, s5  }
0x8: {  	s30 =	sshrl.u32 s9, $0x1;
	s1 =	rddreg [dreg:$0x2];
	_ =	strace $0x80000047  }
0x9: {  	s31 =	ssub.s32 s9, s30;
	s8 =	sor.u32 s7, s8;
	s5 =	sor.u32 s7, s5  }
0xa: {  	s9 =	simm.s32 $0x1;
	s8 =	sshrl.u32 s8, $0x3;
	s5 =	sshrl.u32 s5, $0x3  }
0xb: {  	s7 =	simm.s32 $0x80;
	s8 =	sadd.s32 s8, s4;
	s5 =	sadd.s32 s6, s5  }
0xc: {  	v0 =	vimm.f32 $1.000000000e+00;
	s6 =	smax.u32 s31, $0x1;
	s4 =	sadd.s32 $0x1C00, s8;
	s8 =	simm.s32 $0x400  }
.LBB2_1:
0xd: {  	[tilespmem:s2], [sflag:$0x1] =	stream.strided.gather [hbm4b:s4+s7], $0x3500, s8, s7, $0x38;
	[tilespmem:$0x5C80] =	vst v63  }
0xe: {  	_ =	swait.ge [sflag:s9], $0x3500  }
0xf: {  	[sflag:s9] =	ssyncset.done $0x0  }
0x10: {  	[sflag:s9] =	ssyncadd.s32 $0xFFFFCB00  }
0x11: {  	[tilespmem:s10], [sflag:$0x1] =	stream.linear.gather [hbm4b:s3+s2], $0x2780, $0x38;
	[tilespmem:$0x5C80] =	vst v63  }
0x12: {  	_ =	swait.ge [sflag:s9], $0x2780  }
0x13: {  	[sflag:s9] =	ssyncset.done $0x0  }
0x14: {  	s13 =	simm.s32 $0x0;
	s12 =	simm.s32 $0x40;
	[sflag:s9] =	ssyncadd.s32 $0xFFFFD880  }
.LBB2_2:
0x15: {  	p0 =	sne.s32 s12, $0xD3C0;
	v1 =	vld [tilespmem:s13+$0x0];
	_ =	sdelay $0x3  }
.Ltmp0:
0x16: {  	(pc) =	sbr.rel @p0 .LBB2_2-.Ltmp0, $2  }
0x17: {  	_ =	sdelay $0x2  }
0x18: {  	s13 =	sshra.s32 s12, $0x2;
	s12 =	sadd.s32 $0x40, s12;
	[tilespmem:v1+s10+$0x0] =	vst.idx.add.f32.msk $0xffff, v0  }
0x19: {  	v1 =	vld [tilespmem:s13+$0x0];
	_ =	sdelay $0x5  }
0x1a: {  	s11 =	sadd.s32 $0x1, s11  }
0x1b: {  	p0 =	sne.s32 s11, s6  }
.Ltmp1:
0x1c: {  	[tilespmem:v1+s10+$0x0] =	vst.idx.add.f32.msk $0xffff, v0;
	(pc) =	sbr.rel @p0 .LBB2_1-.Ltmp1, $4  }
0x1d: {  	[hbm4b:s5+s7] =	stream.strided.scatter [tilespmem:s10], [sflag:$0x1], $0x2780, s8, s7, $0x38;
	[tilespmem:$0x5C80] =	vst v63  }
0x1e: {  	_ =	swait.ge [sflag:s9], $0x2780  }
0x1f: {  	[sflag:s9] =	ssyncset.done $0x0  }
0x20: {  	[sflag:s9] =	ssyncadd.s32 $0xFFFFD880  }
0x21: {  	_ =	sfence.sel $0x180000  }
0x22: {  	[bflag:$0x0] =	sbarrier.arrive $0xFFFF  }
0x23: {  	p0 =	sne.s32 s0, $0x0;
	_ =	strace $0x90000047  }
0x24: {  	s0 =	sadd.s32 @!p0 $0x100000, s1;
	[bflag:$0x2] =	sbarrier.arrive $0xFFFF  }
0x25: {  	[sflag:s0] =	ssyncadd.tile.s32 @!p0 $0x1;
	_ =	shalt  }
.Lfunc_end2:
_tile_overlayer_lowered:
.L_overlay_start_2:
0x26: {  	(tag) =	ssettag $0x2  }
0x27: {  	s0 =	rddreg [dreg:$0x0];
	s2 =	stileid.u32  }
0x28: {  	s1 =	rddreg [dreg:$0x1];
	p0 =	sne.s32 s2, $0x0  }
0x29: {  	s3 =	rddreg [dreg:$0x2];
	[bflag:$0x3] =	sbarrier.arrive $0xFFFF;
	s2 =	simm.s32 @!p0 $0x1C01  }
0x2a: {  	[timem:s3], [sflag:s2] =	dma.local @!p0 [hbm:s0], s1  }
0x2b: {  	s0 =	simm.s32 @!p0 $0x1  }
0x2c: {  	_ =	swait.ge @!p0 [sflag:s0], s1  }
0x2d: {  	s1 =	ssub.s32 @!p0 $0x0, s1;
	[sflag:s0] =	ssyncset.done @!p0 $0x0  }
0x2e: {  	[sflag:s0] =	ssyncadd.s32 @!p0 s1  }
0x2f: {  	[bflag:$0x3] =	sbarrier.arrive $0xFFFF  }
0x30: {  	_ =	shalt  }

</sc_bundles>
